<compile_context>
chip_gen: v7x
topology: tpu7x:2x2x1
jax: 0.10.2.dev20260603
libtpu: 0.0.44.dev20260713+nightly
codegen_flags: <defaults>
</compile_context>

<pallas_src>
import functools

import jax
import jax.numpy as jnp
from jax import lax
from jax.experimental import pallas as pl
from jax.experimental.pallas import tpu as pltpu
from jax.experimental.pallas import tpu_sc as plsc

N = 10000
E = 320000
D = 128

NC = 2
NS = 16
NW = NC * NS
EPW = E // NW
K = 80
NWIN = EPW // K

ROWS_PER_TILE = N // NS
ZCHUNK = 25

_MESH = plsc.VectorSubcoreMesh(core_axis_name="c", subcore_axis_name="s")


def _fill_i32(ref, n, value):
    v = jnp.full((16,), value, jnp.int32)

    def body(i, _):
        ref[pl.ds(i * 16, 16)] = v
        return 0

    lax.fori_loop(0, n // 16, body, 0)


def _zero_f32_2d(ref, rows, cols):
    z = jnp.zeros((16,), jnp.float32)

    def body(i, _):
        r = i // (cols // 16)
        c = (i % (cols // 16)) * 16
        ref[r, pl.ds(c, 16)] = z
        return 0

    lax.fori_loop(0, rows * (cols // 16), body, 0)


def _sc_degree_body(dst_hbm, out_hbm, idx_v, ones_v, zeros_v, hist_sh):
    c = lax.axis_index("c")
    s = lax.axis_index("s")
    wid = c * NS + s

    @pl.when(s == 0)
    def _():
        _fill_i32(zeros_v, N, 0)
        pltpu.sync_copy(zeros_v, hist_sh)

    _fill_i32(ones_v, K, 1)
    pltpu.sync_copy(dst_hbm.at[wid], idx_v)
    plsc.subcore_barrier()

    def win(j, _):
        pltpu.sync_copy(ones_v, hist_sh.at[idx_v.at[j]], add=True)
        return 0

    lax.fori_loop(0, NWIN, win, 0)
    plsc.subcore_barrier()

    @pl.when(s == 0)
    def _():
        pltpu.sync_copy(hist_sh, out_hbm.at[c])


_sc_degree = pl.kernel(
    _sc_degree_body,
    out_type=jax.ShapeDtypeStruct((NC, N), jnp.int32),
    mesh=_MESH,
    scratch_types=[
        pltpu.VMEM((NWIN, K), jnp.int32),
        pltpu.VMEM((K,), jnp.int32),
        pltpu.VMEM((N,), jnp.int32),
        pltpu.VMEM_SHARED((N,), jnp.int32),
    ],
)


_BN = 1000


def _tc_h2_body(hist_ref, x_ref, w_ref, h2_ref):
    deg = (hist_ref[:, 0] + hist_ref[:, 1] + 1).astype(jnp.float32)
    dis = lax.rsqrt(deg)
    h = jnp.dot(x_ref[...], w_ref[...], preferred_element_type=jnp.float32)
    h2_ref[...] = h * dis[:, None]


def _tc_h2(histT, x, W):
    return pl.pallas_call(
        _tc_h2_body,
        grid=(N // _BN,),
        in_specs=[
            pl.BlockSpec((_BN, NC), lambda i: (i, 0)),
            pl.BlockSpec((_BN, D), lambda i: (i, 0)),
            pl.BlockSpec((D, D), lambda i: (0, 0)),
        ],
        out_specs=pl.BlockSpec((_BN, D), lambda i: (i, 0)),
        out_shape=jax.ShapeDtypeStruct((N, D), jnp.float32),
    )(histT, x, W)


def _sc_scatter_body(h2_hbm, src_hbm, dst_hbm, out_hbm,
                     sidx_v, didx_v, rows_v, a_sh, sem):
    c = lax.axis_index("c")
    s = lax.axis_index("s")
    wid = c * NS + s

    _zero_f32_2d(rows_v, ZCHUNK, D)

    def zloop(k, _):
        pltpu.sync_copy(rows_v.at[pl.ds(0, ZCHUNK)],
                        a_sh.at[pl.ds(s * ROWS_PER_TILE + k * ZCHUNK, ZCHUNK)])
        return 0

    lax.fori_loop(0, ROWS_PER_TILE // ZCHUNK, zloop, 0)

    pltpu.sync_copy(src_hbm.at[wid], sidx_v)
    pltpu.sync_copy(dst_hbm.at[wid], didx_v)
    plsc.subcore_barrier()

    def win(j, _):
        pltpu.async_copy(h2_hbm.at[sidx_v.at[j]], rows_v, sem).wait()
        pltpu.sync_copy(rows_v, a_sh.at[didx_v.at[j]], add=True)
        return 0

    lax.fori_loop(0, NWIN, win, 0)
    plsc.subcore_barrier()

    pltpu.sync_copy(a_sh.at[pl.ds(s * ROWS_PER_TILE, ROWS_PER_TILE)],
                    out_hbm.at[c, s])


_sc_scatter = pl.kernel(
    _sc_scatter_body,
    out_type=jax.ShapeDtypeStruct((NC, NS, ROWS_PER_TILE, D), jnp.float32),
    mesh=_MESH,
    scratch_types=[
        pltpu.VMEM((NWIN, K), jnp.int32),
        pltpu.VMEM((NWIN, K), jnp.int32),
        pltpu.VMEM((K, D), jnp.float32),
        pltpu.VMEM_SHARED((N, D), jnp.float32),
        pltpu.SemaphoreType.DMA,
    ],
)


def _tc_out_body(hist_ref, a_ref, h2_ref, b_ref, pw_ref, o_ref):
    deg = (hist_ref[:, 0] + hist_ref[:, 1] + 1).astype(jnp.float32)
    dis = lax.rsqrt(deg)
    z = (a_ref[0] + a_ref[1] + h2_ref[...]) * dis[:, None] + b_ref[...]
    o_ref[...] = jnp.where(z >= 0, z, z * pw_ref[...])


def _tc_out(histT, a, h2, b2, pw2):
    return pl.pallas_call(
        _tc_out_body,
        grid=(N // _BN,),
        in_specs=[
            pl.BlockSpec((_BN, NC), lambda i: (i, 0)),
            pl.BlockSpec((NC, _BN, D), lambda i: (0, i, 0)),
            pl.BlockSpec((_BN, D), lambda i: (i, 0)),
            pl.BlockSpec((1, D), lambda i: (0, 0)),
            pl.BlockSpec((1, D), lambda i: (0, 0)),
        ],
        out_specs=pl.BlockSpec((_BN, D), lambda i: (i, 0)),
        out_shape=jax.ShapeDtypeStruct((N, D), jnp.float32),
    )(histT, a, h2, b2, pw2)


def kernel(x, edge_index, W, b, prelu_weight):
    ei = edge_index.astype(jnp.int32)
    src3 = ei[0].reshape(NW, NWIN, K)
    dst3 = ei[1].reshape(NW, NWIN, K)
    hist = _sc_degree(dst3)
    histT = hist.T
    h2 = _tc_h2(histT, x, W)
    a = _sc_scatter(h2, src3, dst3).reshape(NC, N, D)
    return _tc_out(histT, a, h2, b.reshape(1, D), prelu_weight.reshape(1, D))

# --- scband reference (transcript-rebuilt; emitter-appended) ---
"""Pipeline reference for scband-encoder-6313601925376 (READ-ONLY COPY).

The authoritative reference and input builder live on the scoring server;
editing this copy changes nothing except your own understanding.
"""

import jax, jax.numpy as jnp
import numpy as np

N = 10000
E = 320000
D_IN = 128
D_HID = 128


def setup_inputs(seed: int = 0) -> dict:
    key = jax.random.key(seed)
    k1, k2, k3, k4 = jax.random.split(key, 4)
    x = jax.random.normal(k1, (N, D_IN), dtype=jnp.float32)
    edge_index = jax.random.randint(k2, (2, E), 0, N)
    # GCNConv weight (glorot init) and bias
    scale = jnp.sqrt(6.0 / (D_IN + D_HID))
    W = jax.random.uniform(k3, (D_IN, D_HID), dtype=jnp.float32, minval=-scale, maxval=scale)
    b = jnp.zeros((D_HID,), dtype=jnp.float32)
    # PReLU per-channel weight (torch default init 0.25)
    prelu_weight = jnp.full((D_HID,), 0.25, dtype=jnp.float32)
    return {"x": x, "edge_index": edge_index, "W": W, "b": b, "prelu_weight": prelu_weight}


def reference(x, edge_index, W, b, prelu_weight):
    n = x.shape[0]
    src = edge_index[0]
    dst = edge_index[1]
    # add self-loops (PyG GCNConv default)
    loop = jnp.arange(n, dtype=src.dtype)
    src = jnp.concatenate([src, loop], axis=0)
    dst = jnp.concatenate([dst, loop], axis=0)
    # symmetric normalization: D^{-1/2} (A+I) D^{-1/2}
    ones = jnp.ones(src.shape[0], dtype=x.dtype)
    deg = jax.ops.segment_sum(ones, dst, num_segments=n)
    deg_inv_sqrt = jnp.where(deg > 0, jax.lax.rsqrt(jnp.maximum(deg, 1e-12)), 0.0)
    norm = deg_inv_sqrt[src] * deg_inv_sqrt[dst]
    # linear transform then propagate (gather -> scale -> scatter-add)
    h = x @ W
    msgs = h[src] * norm[:, None]
    agg = jax.ops.segment_sum(msgs, dst, num_segments=n)
    out = agg + b
    # PReLU with per-channel weight
    out = jnp.where(out >= 0, out, prelu_weight * out)
    return out

if __name__ == "__main__":
    import jax
    _d = setup_inputs()
    print(jax.jit(kernel)(*tuple(_d.values())))

</pallas_src>

<mosaic_0001>
#map = affine_map<(d0, d1) -> (0, 0)>
#map1 = affine_map<(d0, d1) -> (0, 0, 0)>
#map2 = affine_map<(d0, d1) -> (0, 0, 0, 0)>
module attributes {stable_mosaic.version = 14 : i64} {
  func.func @_sc_scatter_body(%arg0: i32, %arg1: i32, %arg2: memref<10000x128xf32, #tpu.memory_space<hbm>>, %arg3: memref<32x125x80xi32, #tpu.memory_space<hbm>>, %arg4: memref<32x125x80xi32, #tpu.memory_space<hbm>>, %arg5: memref<2x16x625x128xf32, #tpu.memory_space<hbm>>, %arg6: memref<125x80xi32, #tpu.memory_space<vmem>>, %arg7: memref<125x80xi32, #tpu.memory_space<vmem>>, %arg8: memref<80x128xf32, #tpu.memory_space<vmem>>, %arg9: memref<10000x128xf32, #tpu.memory_space<vmem_shared>>, %arg10: memref<!tpu.dma_semaphore, #tpu.memory_space<semaphore_mem>>) attributes {dimension_semantics = [#tpu.dimension_semantics<core_parallel>, #tpu.dimension_semantics<subcore_parallel>], iteration_bounds = array<i64: 2, 16>, scalar_prefetch = 0 : i64, scratch_operands = 5 : i64, tpu.core_type = #tpu.core_type<sc_vector_subcore>, window_params = [{transform_indices = #map}, {transform_indices = #map1}, {transform_indices = #map1}, {transform_indices = #map2}]} {
    %mul3A = arith.constant 16 : i32
    %mul3A_0 = arith.muli %arg0, %mul3A : i32
    %add3A = arith.addi %mul3A_0, %arg1 : i32
    %broadcast_in_dim3A = arith.constant 0.000000e+00 : f32
    %broadcast_in_dim3A_1 = vector.broadcast %broadcast_in_dim3A : f32 to vector<16xf32>
    %scan3A = arith.constant 0 : i32
    %scan3A_2 = arith.constant 0 : i32
    %scan3A_3 = arith.constant 200 : i32
    %scan3A_4 = arith.addi %scan3A_2, %scan3A_3 : i32
    %scan3A_5 = arith.constant 1 : i32
    %scan3A_6 = scf.for %scan3A_25 = %scan3A_2 to %scan3A_4 step %scan3A_5 iter_args(%scan3A_26 = %scan3A) -> (i32)  : i32 {
      %jit3A = arith.constant 8 : i32
      %div3A = arith.divsi %scan3A_25, %jit3A : i32
      %sign3A = arith.constant 0 : i32
      %sign3A_27 = arith.cmpi sgt, %scan3A_25, %sign3A : i32
      %sign3A_28 = arith.extui %sign3A_27 : i1 to i32
      %sign3A_29 = arith.constant 0 : i32
      %sign3A_30 = arith.cmpi slt, %scan3A_25, %sign3A_29 : i32
      %sign3A_31 = arith.extui %sign3A_30 : i1 to i32
      %sign3A_32 = arith.subi %sign3A_28, %sign3A_31 : i32
      %sign3A_33 = arith.constant 0 : i32
      %sign3A_34 = arith.cmpi sgt, %jit3A, %sign3A_33 : i32
      %sign3A_35 = arith.extui %sign3A_34 : i1 to i32
      %sign3A_36 = arith.constant 0 : i32
      %sign3A_37 = arith.cmpi slt, %jit3A, %sign3A_36 : i32
      %sign3A_38 = arith.extui %sign3A_37 : i1 to i32
      %sign3A_39 = arith.subi %sign3A_35, %sign3A_38 : i32
      %ne3A = arith.cmpi ne, %sign3A_32, %sign3A_39 : i32
      %rem3A = arith.remsi %scan3A_25, %jit3A : i32
      %ne3A_40 = arith.constant 0 : i32
      %ne3A_41 = arith.cmpi ne, %rem3A, %ne3A_40 : i32
      %and3A = arith.andi %ne3A, %ne3A_41 : i1
      %sub3A = arith.constant 1 : i32
      %sub3A_42 = arith.subi %div3A, %sub3A : i32
      %select_n3A = arith.select %and3A, %sub3A_42, %div3A : i32
      %jit3A_43 = arith.constant 8 : i32
      %eq3A = arith.constant 0 : i32
      %eq3A_44 = arith.cmpi eq, %jit3A_43, %eq3A : i32
      %jit3A_45 = arith.constant 1 : i32
      %select_n3A_46 = arith.select %eq3A_44, %jit3A_45, %jit3A_43 : i32
      %rem3A_47 = arith.remsi %scan3A_25, %select_n3A_46 : i32
      %ne3A_48 = arith.constant 0 : i32
      %ne3A_49 = arith.cmpi ne, %rem3A_47, %ne3A_48 : i32
      %lt3A = arith.constant 0 : i32
      %lt3A_50 = arith.cmpi slt, %rem3A_47, %lt3A : i32
      %lt3A_51 = arith.constant 0 : i32
      %lt3A_52 = arith.cmpi slt, %select_n3A_46, %lt3A_51 : i32
      %ne3A_53 = arith.xori %lt3A_50, %lt3A_52 : i1
      %and3A_54 = arith.andi %ne3A_53, %ne3A_49 : i1
      %add3A_55 = arith.addi %rem3A_47, %select_n3A_46 : i32
      %select_n3A_56 = arith.select %and3A_54, %add3A_55, %rem3A_47 : i32
      %mul3A_57 = arith.constant 16 : i32
      %mul3A_58 = arith.muli %select_n3A_56, %mul3A_57 : i32
      %swap3A = arith.index_cast %select_n3A : i32 to index
      %swap3A_59 = arith.index_cast %mul3A_58 : i32 to index
      %swap3A_60 = tpu.vector_load %arg8[%swap3A, %swap3A_59] {strides = array<i32>} : memref<80x128xf32, #tpu.memory_space<vmem>>, vector<1x16xf32>,
      %swap3A_61 = vector.shape_cast %swap3A_60 : vector<1x16xf32> to vector<16xf32>
      %swap3A_62 = vector.shape_cast %broadcast_in_dim3A_1 : vector<16xf32> to vector<1x16xf32>
      tpu.vector_store %arg8[%swap3A, %swap3A_59], %swap3A_62 {strides = array<i32>} : memref<80x128xf32, #tpu.memory_space<vmem>>, vector<1x16xf32>,
      %scan3A_63 = arith.constant 0 : i32
      scf.yield %scan3A_63 : i32
    }
    %scan3A_7 = arith.constant 200 : i32
    %scan3A_8 = arith.constant 0 : i32
    %scan3A_9 = arith.constant 0 : i32
    %scan3A_10 = arith.constant 25 : i32
    %scan3A_11 = arith.addi %scan3A_9, %scan3A_10 : i32
    %scan3A_12 = arith.constant 1 : i32
    %scan3A_13 = scf.for %scan3A_25 = %scan3A_9 to %scan3A_11 step %scan3A_12 iter_args(%scan3A_26 = %scan3A_8) -> (i32)  : i32 {
      %mul3A_27 = arith.constant 625 : i32
      %mul3A_28 = arith.muli %arg1, %mul3A_27 : i32
      %mul3A_29 = arith.constant 25 : i32
      %mul3A_30 = arith.muli %scan3A_25, %mul3A_29 : i32
      %add3A_31 = arith.addi %mul3A_28, %mul3A_30 : i32
      "tpu.region"() ({
        %run_scoped3A = tpu.sem_alloc : memref<!tpu.dma_semaphore, #tpu.memory_space<semaphore_mem>>
        %dma_start3A = arith.constant 0 : i32
        %dma_start3A_33 = arith.constant 0 : i32
        %dma_start3A_34 = tpu.memref_slice %arg8[%dma_start3A, %dma_start3A_33] : memref<80x128xf32, #tpu.memory_space<vmem>> -> memref<25x128xf32, #tpu.memory_space<vmem>>
        %dma_start3A_35 = arith.constant 0 : i32
        %dma_start3A_36 = tpu.memref_slice %arg9[%add3A_31, %dma_start3A_35] : memref<10000x128xf32, #tpu.memory_space<vmem_shared>> -> memref<25x128xf32, #tpu.memory_space<vmem_shared>>
        %dma_start3A_37 = arith.constant 0 : i32
        %dma_start3A_38 = tpu.memref_slice %arg9[%add3A_31, %dma_start3A_37] : memref<10000x128xf32, #tpu.memory_space<vmem_shared>> -> memref<25x128xf32, #tpu.memory_space<vmem_shared>>
        %dma_start3A_39 = arith.constant 0 : i32
        %dma_start3A_40 = arith.constant 0 : i32
        %dma_start3A_41 = tpu.memref_slice %arg8[%dma_start3A_39, %dma_start3A_40] : memref<80x128xf32, #tpu.memory_space<vmem>> -> memref<25x128xf32, #tpu.memory_space<vmem>>
        tpu.enqueue_dma source(%dma_start3A_41 : memref<25x128xf32, #tpu.memory_space<vmem>>) target(%dma_start3A_38 : memref<25x128xf32, #tpu.memory_space<vmem_shared>>) target_semaphore(%run_scoped3A : memref<!tpu.dma_semaphore, #tpu.memory_space<semaphore_mem>>)
        %dma_wait3A = arith.constant 0 : i32
        %dma_wait3A_42 = arith.constant 0 : i32
        %dma_wait3A_43 = tpu.memref_slice %arg8[%dma_wait3A, %dma_wait3A_42] : memref<80x128xf32, #tpu.memory_space<vmem>> -> memref<25x128xf32, #tpu.memory_space<vmem>>
        %dma_wait3A_44 = arith.constant 0 : i32
        %dma_wait3A_45 = tpu.memref_slice %arg9[%add3A_31, %dma_wait3A_44] : memref<10000x128xf32, #tpu.memory_space<vmem_shared>> -> memref<25x128xf32, #tpu.memory_space<vmem_shared>>
        %dma_wait3A_46 = arith.constant 0 : i32
        %dma_wait3A_47 = tpu.memref_slice %arg9[%add3A_31, %dma_wait3A_46] : memref<10000x128xf32, #tpu.memory_space<vmem_shared>> -> memref<25x128xf32, #tpu.memory_space<vmem_shared>>
        %dma_wait3A_48 = arith.constant 0 : i32
        %dma_wait3A_49 = arith.constant 0 : i32
        %dma_wait3A_50 = tpu.memref_slice %arg8[%dma_wait3A_48, %dma_wait3A_49] : memref<80x128xf32, #tpu.memory_space<vmem>> -> memref<25x128xf32, #tpu.memory_space<vmem>>
        tpu.wait_dma2 semaphore(%run_scoped3A : memref<!tpu.dma_semaphore, #tpu.memory_space<semaphore_mem>>) src(%dma_wait3A_50 : memref<25x128xf32, #tpu.memory_space<vmem>>) dst(%dma_wait3A_47 : memref<25x128xf32, #tpu.memory_space<vmem_shared>>)
        tpu.yield
      }) : () -> ()
      %scan3A_32 = arith.constant 0 : i32
      scf.yield %scan3A_32 : i32
    }
    %scan3A_14 = arith.constant 25 : i32
    "tpu.region"() ({
      %run_scoped3A = tpu.sem_alloc : memref<!tpu.dma_semaphore, #tpu.memory_space<semaphore_mem>>
      %dma_start3A = arith.constant 0 : i32
      %dma_start3A_25 = arith.constant 0 : i32
      %dma_start3A_26 = tpu.memref_slice %arg3[%add3A, %dma_start3A, %dma_start3A_25] : memref<32x125x80xi32, #tpu.memory_space<hbm>> -> memref<1x125x80xi32, #tpu.memory_space<hbm>>
      %dma_start3A_27 = tpu.memref_squeeze %dma_start3A_26 : memref<1x125x80xi32, #tpu.memory_space<hbm>> -> memref<125x80xi32, #tpu.memory_space<hbm>>
      %dma_start3A_28 = arith.constant 0 : i32
      %dma_start3A_29 = arith.constant 0 : i32
      %dma_start3A_30 = tpu.memref_slice %arg3[%add3A, %dma_start3A_28, %dma_start3A_29] : memref<32x125x80xi32, #tpu.memory_space<hbm>> -> memref<1x125x80xi32, #tpu.memory_space<hbm>>
      %dma_start3A_31 = tpu.memref_squeeze %dma_start3A_30 : memref<1x125x80xi32, #tpu.memory_space<hbm>> -> memref<125x80xi32, #tpu.memory_space<hbm>>
      tpu.enqueue_dma source(%dma_start3A_31 : memref<125x80xi32, #tpu.memory_space<hbm>>) target(%arg6 : memref<125x80xi32, #tpu.memory_space<vmem>>) target_semaphore(%run_scoped3A : memref<!tpu.dma_semaphore, #tpu.memory_space<semaphore_mem>>)
      %dma_wait3A = arith.constant 0 : i32
      %dma_wait3A_32 = arith.constant 0 : i32
      %dma_wait3A_33 = tpu.memref_slice %arg3[%add3A, %dma_wait3A, %dma_wait3A_32] : memref<32x125x80xi32, #tpu.memory_space<hbm>> -> memref<1x125x80xi32, #tpu.memory_space<hbm>>
      %dma_wait3A_34 = tpu.memref_squeeze %dma_wait3A_33 : memref<1x125x80xi32, #tpu.memory_space<hbm>> -> memref<125x80xi32, #tpu.memory_space<hbm>>
      %dma_wait3A_35 = arith.constant 0 : i32
      %dma_wait3A_36 = arith.constant 0 : i32
      %dma_wait3A_37 = tpu.memref_slice %arg3[%add3A, %dma_wait3A_35, %dma_wait3A_36] : memref<32x125x80xi32, #tpu.memory_space<hbm>> -> memref<1x125x80xi32, #tpu.memory_space<hbm>>
      %dma_wait3A_38 = tpu.memref_squeeze %dma_wait3A_37 : memref<1x125x80xi32, #tpu.memory_space<hbm>> -> memref<125x80xi32, #tpu.memory_space<hbm>>
      tpu.wait_dma2 semaphore(%run_scoped3A : memref<!tpu.dma_semaphore, #tpu.memory_space<semaphore_mem>>) src(%dma_wait3A_38 : memref<125x80xi32, #tpu.memory_space<hbm>>) dst(%arg6 : memref<125x80xi32, #tpu.memory_space<vmem>>)
      tpu.yield
    }) : () -> ()
    "tpu.region"() ({
      %run_scoped3A = tpu.sem_alloc : memref<!tpu.dma_semaphore, #tpu.memory_space<semaphore_mem>>
      %dma_start3A = arith.constant 0 : i32
      %dma_start3A_25 = arith.constant 0 : i32
      %dma_start3A_26 = tpu.memref_slice %arg4[%add3A, %dma_start3A, %dma_start3A_25] : memref<32x125x80xi32, #tpu.memory_space<hbm>> -> memref<1x125x80xi32, #tpu.memory_space<hbm>>
      %dma_start3A_27 = tpu.memref_squeeze %dma_start3A_26 : memref<1x125x80xi32, #tpu.memory_space<hbm>> -> memref<125x80xi32, #tpu.memory_space<hbm>>
      %dma_start3A_28 = arith.constant 0 : i32
      %dma_start3A_29 = arith.constant 0 : i32
      %dma_start3A_30 = tpu.memref_slice %arg4[%add3A, %dma_start3A_28, %dma_start3A_29] : memref<32x125x80xi32, #tpu.memory_space<hbm>> -> memref<1x125x80xi32, #tpu.memory_space<hbm>>
      %dma_start3A_31 = tpu.memref_squeeze %dma_start3A_30 : memref<1x125x80xi32, #tpu.memory_space<hbm>> -> memref<125x80xi32, #tpu.memory_space<hbm>>
      tpu.enqueue_dma source(%dma_start3A_31 : memref<125x80xi32, #tpu.memory_space<hbm>>) target(%arg7 : memref<125x80xi32, #tpu.memory_space<vmem>>) target_semaphore(%run_scoped3A : memref<!tpu.dma_semaphore, #tpu.memory_space<semaphore_mem>>)
      %dma_wait3A = arith.constant 0 : i32
      %dma_wait3A_32 = arith.constant 0 : i32
      %dma_wait3A_33 = tpu.memref_slice %arg4[%add3A, %dma_wait3A, %dma_wait3A_32] : memref<32x125x80xi32, #tpu.memory_space<hbm>> -> memref<1x125x80xi32, #tpu.memory_space<hbm>>
      %dma_wait3A_34 = tpu.memref_squeeze %dma_wait3A_33 : memref<1x125x80xi32, #tpu.memory_space<hbm>> -> memref<125x80xi32, #tpu.memory_space<hbm>>
      %dma_wait3A_35 = arith.constant 0 : i32
      %dma_wait3A_36 = arith.constant 0 : i32
      %dma_wait3A_37 = tpu.memref_slice %arg4[%add3A, %dma_wait3A_35, %dma_wait3A_36] : memref<32x125x80xi32, #tpu.memory_space<hbm>> -> memref<1x125x80xi32, #tpu.memory_space<hbm>>
      %dma_wait3A_38 = tpu.memref_squeeze %dma_wait3A_37 : memref<1x125x80xi32, #tpu.memory_space<hbm>> -> memref<125x80xi32, #tpu.memory_space<hbm>>
      tpu.wait_dma2 semaphore(%run_scoped3A : memref<!tpu.dma_semaphore, #tpu.memory_space<semaphore_mem>>) src(%dma_wait3A_38 : memref<125x80xi32, #tpu.memory_space<hbm>>) dst(%arg7 : memref<125x80xi32, #tpu.memory_space<vmem>>)
      tpu.yield
    }) : () -> ()
    %barrier3A = arith.constant 0 : index
    tpu.barrier barrier_id(%barrier3A)
    %scan3A_15 = arith.constant 0 : i32
    %scan3A_16 = arith.constant 0 : i32
    %scan3A_17 = arith.constant 125 : i32
    %scan3A_18 = arith.addi %scan3A_16, %scan3A_17 : i32
    %scan3A_19 = arith.constant 1 : i32
    %scan3A_20 = scf.for %scan3A_25 = %scan3A_16 to %scan3A_18 step %scan3A_19 iter_args(%scan3A_26 = %scan3A_15) -> (i32)  : i32 {
      %dma_start3A = arith.constant 0 : i32
      %dma_start3A_27 = tpu.memref_slice %arg6[%scan3A_25, %dma_start3A] : memref<125x80xi32, #tpu.memory_space<vmem>> -> memref<1x80xi32, #tpu.memory_space<vmem>>
      %dma_start3A_28 = tpu.memref_squeeze %dma_start3A_27 : memref<1x80xi32, #tpu.memory_space<vmem>> -> memref<80xi32, #tpu.memory_space<vmem>>
      %dma_start3A_29 = arith.constant 0 : i32
      %dma_start3A_30 = arith.constant 0 : i32
      %dma_start3A_31 = tpu.memref_slice %arg2[%dma_start3A_29, %dma_start3A_30] : memref<10000x128xf32, #tpu.memory_space<hbm>> -> memref<10000x128xf32, #tpu.memory_space<hbm>>
      tpu.enqueue_indirect_dma source(%dma_start3A_31 : memref<10000x128xf32, #tpu.memory_space<hbm>>) target(%arg8 : memref<80x128xf32, #tpu.memory_space<vmem>>) offsets(%dma_start3A_28 : memref<80xi32, #tpu.memory_space<vmem>>) semaphore(%arg10 : memref<!tpu.dma_semaphore, #tpu.memory_space<semaphore_mem>>)
      %dma_wait3A = arith.constant 0 : i32
      %dma_wait3A_32 = tpu.memref_slice %arg6[%scan3A_25, %dma_wait3A] : memref<125x80xi32, #tpu.memory_space<vmem>> -> memref<1x80xi32, #tpu.memory_space<vmem>>
      %dma_wait3A_33 = tpu.memref_squeeze %dma_wait3A_32 : memref<1x80xi32, #tpu.memory_space<vmem>> -> memref<80xi32, #tpu.memory_space<vmem>>
      %dma_wait3A_34 = arith.constant 0 : i32
      %dma_wait3A_35 = arith.constant 0 : i32
      %dma_wait3A_36 = tpu.memref_slice %arg2[%dma_wait3A_34, %dma_wait3A_35] : memref<10000x128xf32, #tpu.memory_space<hbm>> -> memref<10000x128xf32, #tpu.memory_space<hbm>>
      tpu.wait_indirect_dma semaphore(%arg10 : memref<!tpu.dma_semaphore, #tpu.memory_space<semaphore_mem>>) src(%dma_wait3A_36 : memref<10000x128xf32, #tpu.memory_space<hbm>>) dst(%arg8 : memref<80x128xf32, #tpu.memory_space<vmem>>)
      "tpu.region"() ({
        %run_scoped3A = tpu.sem_alloc : memref<!tpu.dma_semaphore, #tpu.memory_space<semaphore_mem>>
        %dma_start3A_38 = arith.constant 0 : i32
        %dma_start3A_39 = tpu.memref_slice %arg7[%scan3A_25, %dma_start3A_38] : memref<125x80xi32, #tpu.memory_space<vmem>> -> memref<1x80xi32, #tpu.memory_space<vmem>>
        %dma_start3A_40 = tpu.memref_squeeze %dma_start3A_39 : memref<1x80xi32, #tpu.memory_space<vmem>> -> memref<80xi32, #tpu.memory_space<vmem>>
        %dma_start3A_41 = arith.constant 0 : i32
        %dma_start3A_42 = arith.constant 0 : i32
        %dma_start3A_43 = tpu.memref_slice %arg9[%dma_start3A_41, %dma_start3A_42] : memref<10000x128xf32, #tpu.memory_space<vmem_shared>> -> memref<10000x128xf32, #tpu.memory_space<vmem_shared>>
        tpu.enqueue_indirect_dma source(%arg8 : memref<80x128xf32, #tpu.memory_space<vmem>>) target(%dma_start3A_43 : memref<10000x128xf32, #tpu.memory_space<vmem_shared>>) offsets(%dma_start3A_40 : memref<80xi32, #tpu.memory_space<vmem>>) semaphore(%run_scoped3A : memref<!tpu.dma_semaphore, #tpu.memory_space<semaphore_mem>>) {add = true}
        %dma_wait3A_44 = arith.constant 0 : i32
        %dma_wait3A_45 = tpu.memref_slice %arg7[%scan3A_25, %dma_wait3A_44] : memref<125x80xi32, #tpu.memory_space<vmem>> -> memref<1x80xi32, #tpu.memory_space<vmem>>
        %dma_wait3A_46 = tpu.memref_squeeze %dma_wait3A_45 : memref<1x80xi32, #tpu.memory_space<vmem>> -> memref<80xi32, #tpu.memory_space<vmem>>
        %dma_wait3A_47 = arith.constant 0 : i32
        %dma_wait3A_48 = arith.constant 0 : i32
        %dma_wait3A_49 = tpu.memref_slice %arg9[%dma_wait3A_47, %dma_wait3A_48] : memref<10000x128xf32, #tpu.memory_space<vmem_shared>> -> memref<10000x128xf32, #tpu.memory_space<vmem_shared>>
        tpu.wait_indirect_dma semaphore(%run_scoped3A : memref<!tpu.dma_semaphore, #tpu.memory_space<semaphore_mem>>) src(%arg8 : memref<80x128xf32, #tpu.memory_space<vmem>>) dst(%dma_wait3A_49 : memref<10000x128xf32, #tpu.memory_space<vmem_shared>>)
        tpu.yield
      }) : () -> ()
      %scan3A_37 = arith.constant 0 : i32
      scf.yield %scan3A_37 : i32
    }
    %scan3A_21 = arith.constant 125 : i32
    %barrier3A_22 = arith.constant 0 : index
    tpu.barrier barrier_id(%barrier3A_22)
    %mul3A_23 = arith.constant 625 : i32
    %mul3A_24 = arith.muli %arg1, %mul3A_23 : i32
    "tpu.region"() ({
      %run_scoped3A = tpu.sem_alloc : memref<!tpu.dma_semaphore, #tpu.memory_space<semaphore_mem>>
      %dma_start3A = arith.constant 0 : i32
      %dma_start3A_25 = arith.constant 0 : i32
      %dma_start3A_26 = tpu.memref_slice %arg5[%arg0, %arg1, %dma_start3A, %dma_start3A_25] : memref<2x16x625x128xf32, #tpu.memory_space<hbm>> -> memref<1x1x625x128xf32, #tpu.memory_space<hbm>>
      %dma_start3A_27 = tpu.memref_squeeze %dma_start3A_26 : memref<1x1x625x128xf32, #tpu.memory_space<hbm>> -> memref<625x128xf32, #tpu.memory_space<hbm>>
      %dma_start3A_28 = arith.constant 0 : i32
      %dma_start3A_29 = tpu.memref_slice %arg9[%mul3A_24, %dma_start3A_28] : memref<10000x128xf32, #tpu.memory_space<vmem_shared>> -> memref<625x128xf32, #tpu.memory_space<vmem_shared>>
      tpu.enqueue_dma source(%dma_start3A_29 : memref<625x128xf32, #tpu.memory_space<vmem_shared>>) target(%dma_start3A_27 : memref<625x128xf32, #tpu.memory_space<hbm>>) target_semaphore(%run_scoped3A : memref<!tpu.dma_semaphore, #tpu.memory_space<semaphore_mem>>)
      %dma_wait3A = arith.constant 0 : i32
      %dma_wait3A_30 = arith.constant 0 : i32
      %dma_wait3A_31 = tpu.memref_slice %arg5[%arg0, %arg1, %dma_wait3A, %dma_wait3A_30] : memref<2x16x625x128xf32, #tpu.memory_space<hbm>> -> memref<1x1x625x128xf32, #tpu.memory_space<hbm>>
      %dma_wait3A_32 = tpu.memref_squeeze %dma_wait3A_31 : memref<1x1x625x128xf32, #tpu.memory_space<hbm>> -> memref<625x128xf32, #tpu.memory_space<hbm>>
      %dma_wait3A_33 = arith.constant 0 : i32
      %dma_wait3A_34 = tpu.memref_slice %arg9[%mul3A_24, %dma_wait3A_33] : memref<10000x128xf32, #tpu.memory_space<vmem_shared>> -> memref<625x128xf32, #tpu.memory_space<vmem_shared>>
      tpu.wait_dma2 semaphore(%run_scoped3A : memref<!tpu.dma_semaphore, #tpu.memory_space<semaphore_mem>>) src(%dma_wait3A_34 : memref<625x128xf32, #tpu.memory_space<vmem_shared>>) dst(%dma_wait3A_32 : memref<625x128xf32, #tpu.memory_space<hbm>>)
      tpu.yield
    }) : () -> ()
    return
  }
}

#map = affine_map<(d0, d1) -> (0, 0, 0)>
#map1 = affine_map<(d0, d1) -> (0, 0)>
module attributes {stable_mosaic.version = 14 : i64} {
  func.func @_sc_degree_body(%arg0: i32, %arg1: i32, %arg2: memref<32x125x80xi32, #tpu.memory_space<hbm>>, %arg3: memref<2x10000xi32, #tpu.memory_space<hbm>>, %arg4: memref<125x80xi32, #tpu.memory_space<vmem>>, %arg5: memref<80xi32, #tpu.memory_space<vmem>>, %arg6: memref<10000xi32, #tpu.memory_space<vmem>>, %arg7: memref<10000xi32, #tpu.memory_space<vmem_shared>>) attributes {dimension_semantics = [#tpu.dimension_semantics<core_parallel>, #tpu.dimension_semantics<subcore_parallel>], iteration_bounds = array<i64: 2, 16>, scalar_prefetch = 0 : i64, scratch_operands = 4 : i64, tpu.core_type = #tpu.core_type<sc_vector_subcore>, window_params = [{transform_indices = #map}, {transform_indices = #map1}]} {
    %mul3A = arith.constant 16 : i32
    %mul3A_0 = arith.muli %arg0, %mul3A : i32
    %add3A = arith.addi %mul3A_0, %arg1 : i32
    %eq3A = arith.constant 0 : i32
    %eq3A_1 = arith.cmpi eq, %arg1, %eq3A : i32
    %convert_element_type3A = arith.extui %eq3A_1 : i1 to i32
    %cond3A = arith.constant 0 : i32
    %cond3A_2 = arith.cmpi ne, %convert_element_type3A, %cond3A : i32
    scf.if %cond3A_2 {
      %broadcast_in_dim3A_23 = arith.constant 0 : i32
      %broadcast_in_dim3A_24 = vector.broadcast %broadcast_in_dim3A_23 : i32 to vector<16xi32>
      %scan3A_25 = arith.constant 0 : i32
      %scan3A_26 = arith.constant 0 : i32
      %scan3A_27 = arith.constant 625 : i32
      %scan3A_28 = arith.addi %scan3A_26, %scan3A_27 : i32
      %scan3A_29 = arith.constant 1 : i32
      %scan3A_30 = scf.for %scan3A_32 = %scan3A_26 to %scan3A_28 step %scan3A_29 iter_args(%scan3A_33 = %scan3A_25) -> (i32)  : i32 {
        %mul3A_34 = arith.constant 16 : i32
        %mul3A_35 = arith.muli %scan3A_32, %mul3A_34 : i32
        %swap3A = arith.index_cast %mul3A_35 : i32 to index
        %swap3A_36 = tpu.vector_load %arg6[%swap3A] {strides = array<i32>} : memref<10000xi32, #tpu.memory_space<vmem>>, vector<16xi32>,
        %swap3A_37 = vector.shape_cast %swap3A_36 : vector<16xi32> to vector<16xi32>
        %swap3A_38 = vector.shape_cast %broadcast_in_dim3A_24 : vector<16xi32> to vector<16xi32>
        tpu.vector_store %arg6[%swap3A], %swap3A_38 {strides = array<i32>} : memref<10000xi32, #tpu.memory_space<vmem>>, vector<16xi32>,
        %scan3A_39 = arith.constant 0 : i32
        scf.yield %scan3A_39 : i32
      }
      %scan3A_31 = arith.constant 625 : i32
      "tpu.region"() ({
        %run_scoped3A = tpu.sem_alloc : memref<!tpu.dma_semaphore, #tpu.memory_space<semaphore_mem>>
        tpu.enqueue_dma source(%arg6 : memref<10000xi32, #tpu.memory_space<vmem>>) target(%arg7 : memref<10000xi32, #tpu.memory_space<vmem_shared>>) target_semaphore(%run_scoped3A : memref<!tpu.dma_semaphore, #tpu.memory_space<semaphore_mem>>)
        tpu.wait_dma2 semaphore(%run_scoped3A : memref<!tpu.dma_semaphore, #tpu.memory_space<semaphore_mem>>) src(%arg6 : memref<10000xi32, #tpu.memory_space<vmem>>) dst(%arg7 : memref<10000xi32, #tpu.memory_space<vmem_shared>>)
        tpu.yield
      }) : () -> ()
    } else {
    }
    %broadcast_in_dim3A = arith.constant 1 : i32
    %broadcast_in_dim3A_3 = vector.broadcast %broadcast_in_dim3A : i32 to vector<16xi32>
    %scan3A = arith.constant 0 : i32
    %scan3A_4 = arith.constant 0 : i32
    %scan3A_5 = arith.constant 5 : i32
    %scan3A_6 = arith.addi %scan3A_4, %scan3A_5 : i32
    %scan3A_7 = arith.constant 1 : i32
    %scan3A_8 = scf.for %scan3A_23 = %scan3A_4 to %scan3A_6 step %scan3A_7 iter_args(%scan3A_24 = %scan3A) -> (i32)  : i32 {
      %mul3A_25 = arith.constant 16 : i32
      %mul3A_26 = arith.muli %scan3A_23, %mul3A_25 : i32
      %swap3A = arith.index_cast %mul3A_26 : i32 to index
      %swap3A_27 = tpu.vector_load %arg5[%swap3A] {strides = array<i32>} : memref<80xi32, #tpu.memory_space<vmem>>, vector<16xi32>,
      %swap3A_28 = vector.shape_cast %swap3A_27 : vector<16xi32> to vector<16xi32>
      %swap3A_29 = vector.shape_cast %broadcast_in_dim3A_3 : vector<16xi32> to vector<16xi32>
      tpu.vector_store %arg5[%swap3A], %swap3A_29 {strides = array<i32>} : memref<80xi32, #tpu.memory_space<vmem>>, vector<16xi32>,
      %scan3A_30 = arith.constant 0 : i32
      scf.yield %scan3A_30 : i32
    }
    %scan3A_9 = arith.constant 5 : i32
    "tpu.region"() ({
      %run_scoped3A = tpu.sem_alloc : memref<!tpu.dma_semaphore, #tpu.memory_space<semaphore_mem>>
      %dma_start3A = arith.constant 0 : i32
      %dma_start3A_23 = arith.constant 0 : i32
      %dma_start3A_24 = tpu.memref_slice %arg2[%add3A, %dma_start3A, %dma_start3A_23] : memref<32x125x80xi32, #tpu.memory_space<hbm>> -> memref<1x125x80xi32, #tpu.memory_space<hbm>>
      %dma_start3A_25 = tpu.memref_squeeze %dma_start3A_24 : memref<1x125x80xi32, #tpu.memory_space<hbm>> -> memref<125x80xi32, #tpu.memory_space<hbm>>
      %dma_start3A_26 = arith.constant 0 : i32
      %dma_start3A_27 = arith.constant 0 : i32
      %dma_start3A_28 = tpu.memref_slice %arg2[%add3A, %dma_start3A_26, %dma_start3A_27] : memref<32x125x80xi32, #tpu.memory_space<hbm>> -> memref<1x125x80xi32, #tpu.memory_space<hbm>>
      %dma_start3A_29 = tpu.memref_squeeze %dma_start3A_28 : memref<1x125x80xi32, #tpu.memory_space<hbm>> -> memref<125x80xi32, #tpu.memory_space<hbm>>
      tpu.enqueue_dma source(%dma_start3A_29 : memref<125x80xi32, #tpu.memory_space<hbm>>) target(%arg4 : memref<125x80xi32, #tpu.memory_space<vmem>>) target_semaphore(%run_scoped3A : memref<!tpu.dma_semaphore, #tpu.memory_space<semaphore_mem>>)
      %dma_wait3A = arith.constant 0 : i32
      %dma_wait3A_30 = arith.constant 0 : i32
      %dma_wait3A_31 = tpu.memref_slice %arg2[%add3A, %dma_wait3A, %dma_wait3A_30] : memref<32x125x80xi32, #tpu.memory_space<hbm>> -> memref<1x125x80xi32, #tpu.memory_space<hbm>>
      %dma_wait3A_32 = tpu.memref_squeeze %dma_wait3A_31 : memref<1x125x80xi32, #tpu.memory_space<hbm>> -> memref<125x80xi32, #tpu.memory_space<hbm>>
      %dma_wait3A_33 = arith.constant 0 : i32
      %dma_wait3A_34 = arith.constant 0 : i32
      %dma_wait3A_35 = tpu.memref_slice %arg2[%add3A, %dma_wait3A_33, %dma_wait3A_34] : memref<32x125x80xi32, #tpu.memory_space<hbm>> -> memref<1x125x80xi32, #tpu.memory_space<hbm>>
      %dma_wait3A_36 = tpu.memref_squeeze %dma_wait3A_35 : memref<1x125x80xi32, #tpu.memory_space<hbm>> -> memref<125x80xi32, #tpu.memory_space<hbm>>
      tpu.wait_dma2 semaphore(%run_scoped3A : memref<!tpu.dma_semaphore, #tpu.memory_space<semaphore_mem>>) src(%dma_wait3A_36 : memref<125x80xi32, #tpu.memory_space<hbm>>) dst(%arg4 : memref<125x80xi32, #tpu.memory_space<vmem>>)
      tpu.yield
    }) : () -> ()
    %barrier3A = arith.constant 0 : index
    tpu.barrier barrier_id(%barrier3A)
    %scan3A_10 = arith.constant 0 : i32
    %scan3A_11 = arith.constant 0 : i32
    %scan3A_12 = arith.constant 125 : i32
    %scan3A_13 = arith.addi %scan3A_11, %scan3A_12 : i32
    %scan3A_14 = arith.constant 1 : i32
    %scan3A_15 = scf.for %scan3A_23 = %scan3A_11 to %scan3A_13 step %scan3A_14 iter_args(%scan3A_24 = %scan3A_10) -> (i32)  : i32 {
      "tpu.region"() ({
        %run_scoped3A = tpu.sem_alloc : memref<!tpu.dma_semaphore, #tpu.memory_space<semaphore_mem>>
        %dma_start3A = arith.constant 0 : i32
        %dma_start3A_26 = tpu.memref_slice %arg4[%scan3A_23, %dma_start3A] : memref<125x80xi32, #tpu.memory_space<vmem>> -> memref<1x80xi32, #tpu.memory_space<vmem>>
        %dma_start3A_27 = tpu.memref_squeeze %dma_start3A_26 : memref<1x80xi32, #tpu.memory_space<vmem>> -> memref<80xi32, #tpu.memory_space<vmem>>
        %dma_start3A_28 = arith.constant 0 : i32
        %dma_start3A_29 = tpu.memref_slice %arg7[%dma_start3A_28] : memref<10000xi32, #tpu.memory_space<vmem_shared>> -> memref<10000xi32, #tpu.memory_space<vmem_shared>>
        tpu.enqueue_indirect_dma source(%arg5 : memref<80xi32, #tpu.memory_space<vmem>>) target(%dma_start3A_29 : memref<10000xi32, #tpu.memory_space<vmem_shared>>) offsets(%dma_start3A_27 : memref<80xi32, #tpu.memory_space<vmem>>) semaphore(%run_scoped3A : memref<!tpu.dma_semaphore, #tpu.memory_space<semaphore_mem>>) {add = true}
        %dma_wait3A = arith.constant 0 : i32
        %dma_wait3A_30 = tpu.memref_slice %arg4[%scan3A_23, %dma_wait3A] : memref<125x80xi32, #tpu.memory_space<vmem>> -> memref<1x80xi32, #tpu.memory_space<vmem>>
        %dma_wait3A_31 = tpu.memref_squeeze %dma_wait3A_30 : memref<1x80xi32, #tpu.memory_space<vmem>> -> memref<80xi32, #tpu.memory_space<vmem>>
        %dma_wait3A_32 = arith.constant 0 : i32
        %dma_wait3A_33 = tpu.memref_slice %arg7[%dma_wait3A_32] : memref<10000xi32, #tpu.memory_space<vmem_shared>> -> memref<10000xi32, #tpu.memory_space<vmem_shared>>
        tpu.wait_indirect_dma semaphore(%run_scoped3A : memref<!tpu.dma_semaphore, #tpu.memory_space<semaphore_mem>>) src(%arg5 : memref<80xi32, #tpu.memory_space<vmem>>) dst(%dma_wait3A_33 : memref<10000xi32, #tpu.memory_space<vmem_shared>>)
        tpu.yield
      }) : () -> ()
      %scan3A_25 = arith.constant 0 : i32
      scf.yield %scan3A_25 : i32
    }
    %scan3A_16 = arith.constant 125 : i32
    %barrier3A_17 = arith.constant 0 : index
    tpu.barrier barrier_id(%barrier3A_17)
    %eq3A_18 = arith.constant 0 : i32
    %eq3A_19 = arith.cmpi eq, %arg1, %eq3A_18 : i32
    %convert_element_type3A_20 = arith.extui %eq3A_19 : i1 to i32
    %cond3A_21 = arith.constant 0 : i32
    %cond3A_22 = arith.cmpi ne, %convert_element_type3A_20, %cond3A_21 : i32
    scf.if %cond3A_22 {
      "tpu.region"() ({
        %run_scoped3A = tpu.sem_alloc : memref<!tpu.dma_semaphore, #tpu.memory_space<semaphore_mem>>
        %dma_start3A = arith.constant 0 : i32
        %dma_start3A_23 = tpu.memref_slice %arg3[%arg0, %dma_start3A] : memref<2x10000xi32, #tpu.memory_space<hbm>> -> memref<1x10000xi32, #tpu.memory_space<hbm>>
        %dma_start3A_24 = tpu.memref_squeeze %dma_start3A_23 : memref<1x10000xi32, #tpu.memory_space<hbm>> -> memref<10000xi32, #tpu.memory_space<hbm>>
        tpu.enqueue_dma source(%arg7 : memref<10000xi32, #tpu.memory_space<vmem_shared>>) target(%dma_start3A_24 : memref<10000xi32, #tpu.memory_space<hbm>>) target_semaphore(%run_scoped3A : memref<!tpu.dma_semaphore, #tpu.memory_space<semaphore_mem>>)
        %dma_wait3A = arith.constant 0 : i32
        %dma_wait3A_25 = tpu.memref_slice %arg3[%arg0, %dma_wait3A] : memref<2x10000xi32, #tpu.memory_space<hbm>> -> memref<1x10000xi32, #tpu.memory_space<hbm>>
        %dma_wait3A_26 = tpu.memref_squeeze %dma_wait3A_25 : memref<1x10000xi32, #tpu.memory_space<hbm>> -> memref<10000xi32, #tpu.memory_space<hbm>>
        tpu.wait_dma2 semaphore(%run_scoped3A : memref<!tpu.dma_semaphore, #tpu.memory_space<semaphore_mem>>) src(%arg7 : memref<10000xi32, #tpu.memory_space<vmem_shared>>) dst(%dma_wait3A_26 : memref<10000xi32, #tpu.memory_space<hbm>>)
        tpu.yield
      }) : () -> ()
    } else {
    }
    return
  }
}

module attributes {stable_mosaic.version = 14 : i64} {
  func.func @_tc_h2_body(%arg0: i32, %arg1: memref<1000x2xi32, #tpu.memory_space<vmem>>, %arg2: memref<1000x128xf32, #tpu.memory_space<vmem>>, %arg3: memref<128x128xf32, #tpu.memory_space<vmem>>, %arg4: memref<1000x128xf32, #tpu.memory_space<vmem>>) attributes {dimension_semantics = [#tpu.dimension_semantics<arbitrary>], iteration_bounds = array<i64: 10>, scalar_prefetch = 0 : i64, scratch_operands = 0 : i64, tpu.core_type = #tpu.core_type<tc>, window_params = [{transform_indices = @transform_0, window_bounds = array<i64: 1000, 2>}, {transform_indices = @transform_1, window_bounds = array<i64: 1000, 128>}, {pipeline_mode = #tpu.pipeline_mode<synchronous>, transform_indices = @transform_2, window_bounds = array<i64: 128, 128>}, {transform_indices = @transform_3, window_bounds = array<i64: 1000, 128>}]} {
    %get3A = arith.constant 0 : index
    %get3A_0 = arith.constant 0 : index
    %get3A_1 = vector.load %arg1[%get3A, %get3A_0] : memref<1000x2xi32, #tpu.memory_space<vmem>>, vector<1000x1xi32>
    %get3A_2 = vector.shape_cast %get3A_1 : vector<1000x1xi32> to vector<1000xi32>
    %get3A_3 = arith.constant 0 : index
    %get3A_4 = arith.constant 1 : index
    %get3A_5 = vector.load %arg1[%get3A_3, %get3A_4] : memref<1000x2xi32, #tpu.memory_space<vmem>>, vector<1000x1xi32>
    %get3A_6 = vector.shape_cast %get3A_5 : vector<1000x1xi32> to vector<1000xi32>
    %add3A = arith.addi %get3A_2, %get3A_6 : vector<1000xi32>
    %add3A_7 = arith.constant 1 : i32
    %add3A_8 = vector.broadcast %add3A_7 : i32 to vector<1000xi32>
    %add3A_9 = arith.addi %add3A, %add3A_8 : vector<1000xi32>
    %convert_element_type3A = arith.sitofp %add3A_9 : vector<1000xi32> to vector<1000xf32>
    %rsqrt3A = math.rsqrt %convert_element_type3A : vector<1000xf32>
    %get3A_10 = arith.constant 0 : index
    %get3A_11 = arith.constant 0 : index
    %get3A_12 = vector.load %arg2[%get3A_10, %get3A_11] : memref<1000x128xf32, #tpu.memory_space<vmem>>, vector<1000x128xf32>
    %get3A_13 = arith.constant 0 : index
    %get3A_14 = arith.constant 0 : index
    %get3A_15 = vector.load %arg3[%get3A_13, %get3A_14] : memref<128x128xf32, #tpu.memory_space<vmem>>, vector<128x128xf32>
    %dot_general3A = arith.constant dense<0.000000e+00> : vector<1000x128xf32>
    %dot_general3A_16 = tpu.matmul %get3A_12, %get3A_15, %dot_general3A {dimension_numbers = #tpu.dot_dimension_numbers<[1], [0], [0], [1], [0, 0, 1, 1], [], []>, transpose_lhs_hint = false} : vector<1000x128xf32>, vector<128x128xf32>, vector<1000x128xf32> -> vector<1000x128xf32>
    %broadcast_in_dim3A = vector.shape_cast %rsqrt3A : vector<1000xf32> to vector<1000x1xf32>
    %mul3A = vector.broadcast %broadcast_in_dim3A : vector<1000x1xf32> to vector<1000x128xf32>
    %mul3A_17 = arith.mulf %dot_general3A_16, %mul3A : vector<1000x128xf32>
    %swap3A = arith.constant 0 : index
    %swap3A_18 = arith.constant 0 : index
    %swap3A_19 = vector.load %arg4[%swap3A, %swap3A_18] : memref<1000x128xf32, #tpu.memory_space<vmem>>, vector<1000x128xf32>
    tpu.vector_store %arg4[%swap3A, %swap3A_18], %mul3A_17 {strides = array<i32>} : memref<1000x128xf32, #tpu.memory_space<vmem>>, vector<1000x128xf32>,
    return
  }
  func.func @transform_0(%arg0: i32) -> (i32, i32) {
    %c0_i32 = arith.constant 0 : i32
    %c0_i32_0 = arith.constant 0 : i32
    return %arg0, %c0_i32 : i32, i32
  }
  func.func @transform_1(%arg0: i32) -> (i32, i32) {
    %c0_i32 = arith.constant 0 : i32
    %c0_i32_0 = arith.constant 0 : i32
    return %arg0, %c0_i32 : i32, i32
  }
  func.func @transform_2(%arg0: i32) -> (i32, i32) {
    %c0_i32 = arith.constant 0 : i32
    %c0_i32_0 = arith.constant 0 : i32
    %c0_i32_1 = arith.constant 0 : i32
    return %c0_i32, %c0_i32_0 : i32, i32
  }
  func.func @transform_3(%arg0: i32) -> (i32, i32) {
    %c0_i32 = arith.constant 0 : i32
    %c0_i32_0 = arith.constant 0 : i32
    return %arg0, %c0_i32 : i32, i32
  }
}

module attributes {stable_mosaic.version = 14 : i64} {
  func.func @_tc_out_body(%arg0: i32, %arg1: memref<1000x2xi32, #tpu.memory_space<vmem>>, %arg2: memref<2x1000x128xf32, #tpu.memory_space<vmem>>, %arg3: memref<1000x128xf32, #tpu.memory_space<vmem>>, %arg4: memref<1x128xf32, #tpu.memory_space<vmem>>, %arg5: memref<1x128xf32, #tpu.memory_space<vmem>>, %arg6: memref<1000x128xf32, #tpu.memory_space<vmem>>) attributes {dimension_semantics = [#tpu.dimension_semantics<arbitrary>], iteration_bounds = array<i64: 10>, scalar_prefetch = 0 : i64, scratch_operands = 0 : i64, tpu.core_type = #tpu.core_type<tc>, window_params = [{transform_indices = @transform_0, window_bounds = array<i64: 1000, 2>}, {transform_indices = @transform_1, window_bounds = array<i64: 2, 1000, 128>}, {transform_indices = @transform_2, window_bounds = array<i64: 1000, 128>}, {pipeline_mode = #tpu.pipeline_mode<synchronous>, transform_indices = @transform_3, window_bounds = array<i64: 1, 128>}, {pipeline_mode = #tpu.pipeline_mode<synchronous>, transform_indices = @transform_4, window_bounds = array<i64: 1, 128>}, {transform_indices = @transform_5, window_bounds = array<i64: 1000, 128>}]} {
    %get3A = arith.constant 0 : index
    %get3A_0 = arith.constant 0 : index
    %get3A_1 = vector.load %arg1[%get3A, %get3A_0] : memref<1000x2xi32, #tpu.memory_space<vmem>>, vector<1000x1xi32>
    %get3A_2 = vector.shape_cast %get3A_1 : vector<1000x1xi32> to vector<1000xi32>
    %get3A_3 = arith.constant 0 : index
    %get3A_4 = arith.constant 1 : index
    %get3A_5 = vector.load %arg1[%get3A_3, %get3A_4] : memref<1000x2xi32, #tpu.memory_space<vmem>>, vector<1000x1xi32>
    %get3A_6 = vector.shape_cast %get3A_5 : vector<1000x1xi32> to vector<1000xi32>
    %add3A = arith.addi %get3A_2, %get3A_6 : vector<1000xi32>
    %add3A_7 = arith.constant 1 : i32
    %add3A_8 = vector.broadcast %add3A_7 : i32 to vector<1000xi32>
    %add3A_9 = arith.addi %add3A, %add3A_8 : vector<1000xi32>
    %convert_element_type3A = arith.sitofp %add3A_9 : vector<1000xi32> to vector<1000xf32>
    %rsqrt3A = math.rsqrt %convert_element_type3A : vector<1000xf32>
    %get3A_10 = arith.constant 0 : index
    %get3A_11 = arith.constant 0 : index
    %get3A_12 = arith.constant 0 : index
    %get3A_13 = vector.load %arg2[%get3A_10, %get3A_11, %get3A_12] : memref<2x1000x128xf32, #tpu.memory_space<vmem>>, vector<1x1000x128xf32>
    %get3A_14 = vector.shape_cast %get3A_13 : vector<1x1000x128xf32> to vector<1000x128xf32>
    %get3A_15 = arith.constant 1 : index
    %get3A_16 = arith.constant 0 : index
    %get3A_17 = arith.constant 0 : index
    %get3A_18 = vector.load %arg2[%get3A_15, %get3A_16, %get3A_17] : memref<2x1000x128xf32, #tpu.memory_space<vmem>>, vector<1x1000x128xf32>
    %get3A_19 = vector.shape_cast %get3A_18 : vector<1x1000x128xf32> to vector<1000x128xf32>
    %add3A_20 = arith.addf %get3A_14, %get3A_19 : vector<1000x128xf32>
    %get3A_21 = arith.constant 0 : index
    %get3A_22 = arith.constant 0 : index
    %get3A_23 = vector.load %arg3[%get3A_21, %get3A_22] : memref<1000x128xf32, #tpu.memory_space<vmem>>, vector<1000x128xf32>
    %add3A_24 = arith.addf %add3A_20, %get3A_23 : vector<1000x128xf32>
    %broadcast_in_dim3A = vector.shape_cast %rsqrt3A : vector<1000xf32> to vector<1000x1xf32>
    %mul3A = vector.broadcast %broadcast_in_dim3A : vector<1000x1xf32> to vector<1000x128xf32>
    %mul3A_25 = arith.mulf %add3A_24, %mul3A : vector<1000x128xf32>
    %get3A_26 = arith.constant 0 : index
    %get3A_27 = arith.constant 0 : index
    %get3A_28 = vector.load %arg4[%get3A_26, %get3A_27] : memref<1x128xf32, #tpu.memory_space<vmem>>, vector<1x128xf32>
    %add3A_29 = vector.broadcast %get3A_28 : vector<1x128xf32> to vector<1000x128xf32>
    %add3A_30 = arith.addf %mul3A_25, %add3A_29 : vector<1000x128xf32>
    %ge3A = arith.constant 0.000000e+00 : f32
    %ge3A_31 = vector.broadcast %ge3A : f32 to vector<1000x128xf32>
    %ge3A_32 = arith.cmpf oge, %add3A_30, %ge3A_31 : vector<1000x128xf32>
    %get3A_33 = arith.constant 0 : index
    %get3A_34 = arith.constant 0 : index
    %get3A_35 = vector.load %arg5[%get3A_33, %get3A_34] : memref<1x128xf32, #tpu.memory_space<vmem>>, vector<1x128xf32>
    %mul3A_36 = vector.broadcast %get3A_35 : vector<1x128xf32> to vector<1000x128xf32>
    %mul3A_37 = arith.mulf %add3A_30, %mul3A_36 : vector<1000x128xf32>
    %select_n3A = arith.select %ge3A_32, %add3A_30, %mul3A_37 : vector<1000x128xi1>, vector<1000x128xf32>
    %swap3A = arith.constant 0 : index
    %swap3A_38 = arith.constant 0 : index
    %swap3A_39 = vector.load %arg6[%swap3A, %swap3A_38] : memref<1000x128xf32, #tpu.memory_space<vmem>>, vector<1000x128xf32>
    tpu.vector_store %arg6[%swap3A, %swap3A_38], %select_n3A {strides = array<i32>} : memref<1000x128xf32, #tpu.memory_space<vmem>>, vector<1000x128xf32>,
    return
  }
  func.func @transform_0(%arg0: i32) -> (i32, i32) {
    %c0_i32 = arith.constant 0 : i32
    %c0_i32_0 = arith.constant 0 : i32
    return %arg0, %c0_i32 : i32, i32
  }
  func.func @transform_1(%arg0: i32) -> (i32, i32, i32) {
    %c0_i32 = arith.constant 0 : i32
    %c0_i32_0 = arith.constant 0 : i32
    %c0_i32_1 = arith.constant 0 : i32
    return %c0_i32, %arg0, %c0_i32_0 : i32, i32, i32
  }
  func.func @transform_2(%arg0: i32) -> (i32, i32) {
    %c0_i32 = arith.constant 0 : i32
    %c0_i32_0 = arith.constant 0 : i32
    return %arg0, %c0_i32 : i32, i32
  }
  func.func @transform_3(%arg0: i32) -> (i32, i32) {
    %c0_i32 = arith.constant 0 : i32
    %c0_i32_0 = arith.constant 0 : i32
    %c0_i32_1 = arith.constant 0 : i32
    return %c0_i32, %c0_i32_0 : i32, i32
  }
  func.func @transform_4(%arg0: i32) -> (i32, i32) {
    %c0_i32 = arith.constant 0 : i32
    %c0_i32_0 = arith.constant 0 : i32
    %c0_i32_1 = arith.constant 0 : i32
    return %c0_i32, %c0_i32_0 : i32, i32
  }
  func.func @transform_5(%arg0: i32) -> (i32, i32) {
    %c0_i32 = arith.constant 0 : i32
    %c0_i32_0 = arith.constant 0 : i32
    return %arg0, %c0_i32 : i32, i32
  }
}

</mosaic_0001>

<sc_bundles>
// kernel: kernel.6.cloned.1.call-start
scs
__scs_entry_jumppad:
0x0: {  	(pc) =	sbr.rel $0x88, $3  }
0x1: {  	(tag) =	ssettag $0x0;
	lr =	simm.s32 $0x1  }
0x2: {  	[smem:$0x3F9C] =	sst lr;
	_ =	strace $0xD0000000  }
0x3: {  	_ = 	snop  }
0x4: {  	_ = 	snop  }
0x5: {  	_ = 	snop  }
0x6: {  	_ = 	snop  }
0x7: {  	_ = 	snop  }
__scs_overlays_trampoline_lowered:
0x8: {  	[smem:$0x3FAB] =	sst s0  }
0x9: {  	[smem:$0x3FAC] =	sst s1  }
0xa: {  	[smem:$0x3FAD] =	sst s2  }
0xb: {  	[smem:$0x3FAE] =	sst s3  }
0xc: {  	[smem:$0x3FAF] =	sst s4  }
0xd: {  	[smem:$0x3FB0] =	sst s5  }
0xe: {  	[smem:$0x3FB1] =	sst s6  }
0xf: {  	[smem:$0x3FB2] =	sst s7  }
0x10: {  	[smem:$0x3FB3] =	sst s8  }
0x11: {  	[smem:$0x3FB4] =	sst s9;
	s0 =	simm.s32 @!p0 $0x0  }
0x12: {  	s1 =	sld [smem:$0x3F9A];
	s0 =	simm.s32 @p0 $0x1  }
0x13: {  	[smem:$0x3FB5] =	sst s0;
	s0 =	simm.s32 @!p1 $0x0  }
0x14: {  	s2 =	sld [smem:$0x3F99];
	s0 =	simm.s32 @p1 $0x1  }
0x15: {  	[smem:$0x3FB6] =	sst s0;
	s0 =	simm.s32 @!p2 $0x0  }
0x16: {  	s3 =	sld [smem:$0x3FDB];
	s0 =	simm.s32 @p2 $0x1  }
0x17: {  	s4 =	simm.s32 $0x1BF5;
	[smem:$0x3FB8] =	sst s0  }
0x18: {  	s0 =	sld [smem:$0x3F9B];
	_ =	swait.ge [sflag:s4], $0x0  }
0x19: {  	s7 =	sld [smem:$0x3F9C]  }
0x1a: {  	s8 =	sadd.s32 $0xFFFFE003, lr  }
0x1b: {  	s9 =	sadd.s32 $0xFFFFFEF7, lr;
	s5 =	simm.s32 $0xFFFFFFFF;
	p2 =	slt.u32 s8, $0xFFFFF086  }
0x1c: {  	p1 =	slt.u32 s9, $0xF7A;
	s5 =	simm.s32 @!p2 $0x0  }
0x1d: {  	s5 =	simm.s32 @p1 $0x1;
	p0 =	seq.s32 s7, s2  }
0x1e: {  	s7 =	smul.u32 @!p0 $0xF7A, s2;
	p2 =	seq.s32 @!p0 s5, $0x0  }
0x1f: {  	s9 =	smul.u32 $0xF7A, s1;
	s8 =	simm.s32 @!p0 $0x1BF5;
	p2 =	por !p2, p0  }
0x20: {  	[sflag:s8] =	ssyncset.s32 @!p0 $0xFFFFF086;
	s6 =	sadd.s32 @!p0 s3, s7;
	s7 =	simm.s32 @!p0 $0x108  }
0x21: {  	s3 =	sadd.s32 s3, s9;
	s6 =	sadd.s32 @!p0 $0x88, s6;
	s7 =	simm.s32 @p2 $0x1082  }
0x22: {  	[simem:s7], [sflag:s8] =	dma.local @!p0 [hbm:s6], $0xF7A  }
0x23: {  	s9 =	sor.u32 $0xD0000000, s2;
	s6 =	simm.s32 $0x108;
	_ =	swait.ge @!p0 [sflag:s8], $0x0  }
0x24: {  	s3 =	sadd.s32 $0x88, s3;
	s6 =	simm.s32 @!p1 $0x1082;
	[sflag:s4] =	ssyncset.s32 $0xFFFFF086  }
0x25: {  	[simem:s6], [sflag:s4] =	dma.local [hbm:s3], $0xF7A  }
0x26: {  	[smem:$0x3F9C] =	sst s1;
	(tag) =	ssettag s2;
	_ =	strace s9  }
0x27: {  	s1 =	sld [smem:$0x3FAC]  }
0x28: {  	s2 =	sld [smem:$0x3FAD]  }
0x29: {  	s4 =	sld [smem:$0x3FAF]  }
0x2a: {  	p0 =	seq.s32 s5, $0x0;
	s5 =	sld [smem:$0x3FB0]  }
0x2b: {  	s6 =	sld [smem:$0x3FB1]  }
0x2c: {  	s7 =	sld [smem:$0x3FB2]  }
0x2d: {  	s3 =	simm.s32 $0x108;
	s8 =	sld [smem:$0x3FB3]  }
0x2e: {  	s3 =	simm.s32 @!p0 $0x1082;
	s9 =	sld [smem:$0x3FB4]  }
0x2f: {  	lr =	sadd.s32 s0, s3;
	s0 =	sld [smem:$0x3FAB]  }
0x30: {  	s3 =	sld [smem:$0x3FAE]  }
0x31: {  	[smem:$0x3FB7] =	sst s10  }
0x32: {  	s10 =	sld [smem:$0x3FB5];
	_ =	sdelay $0x3  }
0x33: {  	p0 =	seq.s32 s10, $0x1;
	s10 =	sld [smem:$0x3FB7];
	_ =	sdelay $0x3  }
0x34: {  	[smem:$0x3FB7] =	sst s10  }
0x35: {  	s10 =	sld [smem:$0x3FB6];
	_ =	sdelay $0x3  }
0x36: {  	p1 =	seq.s32 s10, $0x1;
	s10 =	sld [smem:$0x3FB7];
	_ =	sdelay $0x3  }
0x37: {  	[smem:$0x3FB7] =	sst s10  }
0x38: {  	s10 =	sld [smem:$0x3FB8]  }
0x39: {  	_ = 	snop;
	(pc) =	sbr.ind lr, $3  }
0x3a: {  	_ = 	snop  }
0x3b: {  	_ = 	snop  }
0x3c: {  	p2 =	seq.s32 s10, $0x1;
	s10 =	sld [smem:$0x3FB7]  }
0x3d: {  	_ =	shalt  }
0x3e: {  	_ =	shalt  }
0x3f: {  	_ =	shalt  }
0x40: {  	_ =	shalt  }
0x41: {  	_ =	shalt  }
0x42: {  	_ =	shalt  }
0x43: {  	_ =	shalt  }
0x44: {  	_ =	shalt  }
0x45: {  	_ =	shalt  }
0x46: {  	_ =	shalt  }
0x47: {  	_ =	shalt  }
0x48: {  	_ =	shalt  }
0x49: {  	_ =	shalt  }
0x4a: {  	_ =	shalt  }
0x4b: {  	_ =	shalt  }
0x4c: {  	_ =	shalt  }
0x4d: {  	_ =	shalt  }
0x4e: {  	_ =	shalt  }
0x4f: {  	_ =	shalt  }
0x50: {  	_ =	shalt  }
0x51: {  	_ =	shalt  }
0x52: {  	_ =	shalt  }
0x53: {  	_ =	shalt  }
0x54: {  	_ =	shalt  }
0x55: {  	_ =	shalt  }
0x56: {  	_ =	shalt  }
0x57: {  	_ =	shalt  }
0x58: {  	_ =	shalt  }
0x59: {  	_ =	shalt  }
0x5a: {  	_ =	shalt  }
0x5b: {  	_ =	shalt  }
0x5c: {  	_ =	shalt  }
0x5d: {  	_ =	shalt  }
0x5e: {  	_ =	shalt  }
0x5f: {  	_ =	shalt  }
0x60: {  	_ =	shalt  }
0x61: {  	_ =	shalt  }
0x62: {  	_ =	shalt  }
0x63: {  	_ =	shalt  }
0x64: {  	_ =	shalt  }
0x65: {  	_ =	shalt  }
0x66: {  	_ =	shalt  }
0x67: {  	_ =	shalt  }
0x68: {  	_ =	shalt  }
0x69: {  	_ =	shalt  }
0x6a: {  	_ =	shalt  }
0x6b: {  	_ =	shalt  }
0x6c: {  	_ =	shalt  }
0x6d: {  	_ =	shalt  }
0x6e: {  	_ =	shalt  }
0x6f: {  	_ =	shalt  }
0x70: {  	_ =	shalt  }
0x71: {  	_ =	shalt  }
0x72: {  	_ =	shalt  }
0x73: {  	_ =	shalt  }
0x74: {  	_ =	shalt  }
0x75: {  	_ =	shalt  }
0x76: {  	_ =	shalt  }
0x77: {  	_ =	shalt  }
0x78: {  	_ =	shalt  }
0x79: {  	_ =	shalt  }
0x7a: {  	_ =	shalt  }
0x7b: {  	_ =	shalt  }
0x7c: {  	_ =	shalt  }
0x7d: {  	_ =	shalt  }
0x7e: {  	_ =	shalt  }
0x7f: {  	_ =	shalt  }
0x80: {  	_ =	shalt  }
0x81: {  	_ =	shalt  }
0x82: {  	_ =	shalt  }
0x83: {  	_ =	shalt  }
0x84: {  	_ =	shalt  }
0x85: {  	_ =	shalt  }
0x86: {  	_ =	shalt  }
0x87: {  	_ =	shalt  }
.Lfunc_end0:
.L_simem_size_0:
called_computation_lowered:
.L_overlay_start_0:
0x88: {  	s2 =	sld [smem:$0x3FD9]  }
0x89: {  	s3 =	sld [smem:$0x3FFE];
	_ =	sdelay $0x1  }
0x8a: {  	s1 =	srdreg.scid  }
0x8b: {  	s0 =	sand.u32 $0x1, s1  }
0x8c: {  	s17 =	sshll.u32 s0, $0xA;
	s2 =	sadd.s32 s3, s2  }
0x8d: {  	s2 =	sadd.s32 s2, s17  }
0x8e: {  	[smem:$0x3FC3] =	sst s2  }
0x8f: {  	_ = 	snop  }
0x90: {  	s2 =	sld [smem:$0x3FD0];
	(tm) =	ssettm $0x1  }
0x91: {  	s18 =	sld [smem:$0x3FFB];
	_ =	sdelay $0x3  }
0x92: {  	_ =	strace s18  }
0x93: {  	s3 =	sld [smem:$0x3FFC];
	_ =	sdelay $0x3  }
0x94: {  	_ =	strace s3  }
0x95: {  	s3 =	sld [smem:$0x3FFD];
	_ =	sdelay $0x3  }
0x96: {  	_ =	strace s3  }
0x97: {  	_ =	strace $0x8FFFFFFF  }
0x98: {  	s19 =	sld [smem:$0x3FDB];
	_ =	sdelay $0x1  }
0x99: {  	s4 =	simm.s32 $_scs_section_size  }
0x9a: {  	s5 =	simm.s32 $_size__tile_overlayer_lowered;
	s6 =	simm.s32 $_tile_overlayer_lowered  }
0x9b: {  	s22 =	simm.s32 $0x1BFF;
	s21 =	sshll.u32 s6, $0x1;
	s3 =	sadd.s32 s4, s19  }
0x9c: {  	s7 =	simm.s32 $0x0;
	s20 =	sshll.u32 s5, $0x1;
	s5 =	sadd.s32 s21, s3  }
0x9d: {  	[timem:s7], [sflag:s22] =	dma.local [hbm:s5], s20  }
0x9e: {  	_ =	swait.ge [sflag:s22], s20  }
0x9f: {  	s4 =	ssub.s32 $0x0, s20;
	[sflag:s22] =	ssyncset.done $0x0  }
0xa0: {  	[sflag:s22] =	ssyncadd.s32 s4;
	_ =	sdelay $0x1  }
0xa1: {  	s23 =	simm.s32 $0x1B8B  }
0xa2: {  	_ =	swait.ge [sflag:s23], $0x1  }
0xa3: {  	[sflag:s23] =	ssyncset.done $0x0  }
0xa4: {  	s25 =	simm.s32 $0x1B8E;
	s24 =	sld [smem:$0x3FFE];
	[sflag:s23] =	ssyncadd.s32 $0xFFFFFFFF  }
0xa5: {  	s26 =	simm.s32 $execute0_lowered;
	[smem:$0x3FD2] =	sst s25  }
0xa6: {  	s5 =	sshll.u32 s26, $0x1;
	_ =	strace $0x80000046;
	[dreg:$0x1] =	wrdreg $0xFFFFFFFF  }
0xa7: {  	s28 =	simm.s32 $_size_execute0_lowered;
	s3 =	sadd.s32 s3, s5;
	[dreg:$0x0] =	wrdreg $0x0  }
0xa8: {  	s5 =	sshll.u32 s28, $0x1;
	[dreg:$0x2] =	wrdreg s3  }
0xa9: {  	[dreg:$0x3] =	wrdreg s5  }
0xaa: {  	[dreg:$0x4] =	wrdreg $0xC0  }
0xab: {  	_ =	task [dreg:s7], $0x5FFFF  }
0xac: {  	[dreg:$0x1] =	wrdreg $0xFFFFFFFF  }
0xad: {  	[dreg:$0x0] =	wrdreg $0x60  }
0xae: {  	[dreg:$0x2] =	wrdreg s24  }
0xaf: {  	[dreg:$0x3] =	wrdreg s2  }
0xb0: {  	[dreg:$0x4] =	wrdreg $0x68000  }
0xb1: {  	[dreg:$0x5] =	wrdreg $0x9  }
0xb2: {  	_ =	task.clear_ibuf [dreg:s7], $0x6FFFF;
	_ =	strace $0x90000046  }
0xb3: {  	s29 =	simm.s32 $0x9;
	_ =	strace $0x80000048  }
0xb4: {  	_ =	swait.ge [sflag:s29], $0x1  }
0xb5: {  	[sflag:s29] =	ssyncadd.s32 $0xFFFFFFFF  }
0xb6: {  	_ =	strace $0x90000048  }
0xb7: {  	_ =	sfence  }
0xb8: {  	s30 =	sld [smem:$0x0];
	_ =	sdelay $0x2  }
0xb9: {  	s31 =	sshll.u32 s1, $0xD;
	s1 =	sshrl.u32 s1, $0x2  }
0xba: {  	s3 =	sand.u32 $0x4000, s31;
	s1 =	sadd.s32 s1, s30  }
0xbb: {  	s0 =	sor.u32 s3, s0;
	s1 =	sshll.u32 s1, $0x11  }
0xbc: {  	s0 =	sor.u32 s1, s0  }
0xbd: {  	s0 =	sadd.s32 $0x8F2B, s0  }
0xbe: {  	[sflag:s0] =	ssyncadd.remote.s32 $0x1  }
0xbf: {  	_ =	sfence.sel $0xFFFF  }
0xc0: {  	[dreg:$0x0] =	wrdreg $0xFFFFFFFF;
	(pc) =	sbr.abs _section_cstart, $3  }
0xc1: {  	[dreg:$0x1] =	wrdreg $0xFFFFFFFF  }
0xc2: {  	_ =	task.clear_ibuf [dreg:s7], $0x2FFFF;
	_ =	strace $0x9FFFFFFF  }
0xc3: {  	(tm) =	ssettm $0x7FFFFFFF  }
tec
execute0_lowered:
.L_overlay_start_1:
0x0: {  	(tag) =	ssettag $0x1  }
0x1: {  	s3 =	rddreg [dreg:$0x0]  }
0x2: {  	s4 =	rddreg [dreg:$0x1]  }
0x3: {  	s1 =	rddreg [dreg:$0x2]  }
0x4: {  	s0 =	rddreg [dreg:$0x3];
	s2 =	simm.s32 $0x0;
	s5 =	srdreg.scid  }
0x5: {  	s6 =	stileid.u32;
	[smem:$0x7FF] =	sst s2;
	s5 =	sand.u32 $0x1, s5  }
0x6: {  	s7 =	sshll.u32 s6, $0xB;
	p0 =	sne.s32 s6, $0x0;
	s6 =	simm.s32 $0x4080  }
0x7: {  	_ =	strace $0x80000047;
	s8 =	ssub.s32 $0x2, s5;
	s3 =	sadd.s32 s7, s3  }
0x8: {  	s9 =	sshll.u32 s5, $0xF;
	s5 =	sshll.u32 s5, $0x4;
	s10 =	sshrl.u32 @!p0 s1, $0x3  }
0x9: {  	s31 =	sshrl.u32 s8, $0x1;
	s3 =	sadd.s32 s9, s3;
	s4 =	sadd.s32 s4, s5  }
0xa: {  	s9 =	simm.s32 $0x4000;
	s7 =	ssub.s32 s8, s31;
	s3 =	sadd.s32 $0x1200, s3  }
0xb: {  	v0 =	vimm.s32 $0x0;
	v1 =	vimm.s32 $0x1;
	s8 =	simm.s32 $0x50;
	s5 =	smax.u32 s7, $0x1;
	s7 =	simm.s32 $0x1  }
.LBB2_1:
.Ltmp0:
0xc: {  	(pc) =	sbr.rel @p0 .LBB2_5-.Ltmp0, $1  }
0xd: {  	_ =	sdelay $0x3  }
0xe: {  	s11 =	simm.s32 $0x40;
	s12 =	simm.s32 $0x0  }
.LBB2_3:
0xf: {  	p1 =	sne.s32 s11, $0x9C00;
	[tilespmem:s12+$0x4080] =	vst v0;
	s12 =	smov.u32 s11;
	s11 =	sadd.s32 $0x40, s11  }
.Ltmp1:
0x10: {  	(pc) =	sbr.rel @p1 .LBB2_3-.Ltmp1, $2  }
0x11: {  	_ =	sdelay $0x2  }
0x12: {  	s12 =	sshra.s32 s12, $0x2  }
0x13: {  	[tilespmem:s12+$0x4080] =	vst v0  }
0x14: {  	[spmem:s1] =	stream.linear.scatter [tilespmem:s6], [sflag:$0x1], $0x2780, $0x38;
	[tilespmem:$0x6A78] =	vst v63  }
0x15: {  	_ =	swait.ge [sflag:s7], $0x2780  }
0x16: {  	[sflag:s7] =	ssyncset.done $0x0  }
0x17: {  	[sflag:s7] =	ssyncadd.s32 $0xFFFFD880  }
.LBB2_5:
0x18: {  	[tilespmem:$0x4000] =	vst v1  }
0x19: {  	[tilespmem:$0x4010] =	vst v1  }
0x1a: {  	[tilespmem:$0x4020] =	vst v1  }
0x1b: {  	[tilespmem:$0x4030] =	vst v1  }
0x1c: {  	[tilespmem:$0x4040] =	vst v1;
	s11 =	simm.s32 $0x0  }
0x1d: {  	[tilespmem:s11], [sflag:$0x1] =	stream.linear.gather [hbm4b:s3+s11], $0x3E80, $0x38;
	[tilespmem:$0x6A78] =	vst v63  }
0x1e: {  	_ =	swait.ge [sflag:s7], $0x3E80  }
0x1f: {  	[sflag:s7] =	ssyncset.done $0x0  }
0x20: {  	[sflag:s7] =	ssyncadd.s32 $0xFFFFC180  }
0x21: {  	s31 =	simm.s32 $0x0;
	[bflag:$0x0] =	sbarrier.arrive $0xFFFF  }
0x22: {  	[spmem:s1] =	stream.indirect.scatter.add.s32 [tilespmem:s9], [sflag:$0x1], $0x1, s31, s8, $0xb8;
	[tilespmem:$0x6A78] =	vst v63  }
0x23: {  	_ =	swait.ge [sflag:s7], $0x50  }
0x24: {  	s11 =	simm.s32 $0x200;
	[sflag:s7] =	ssyncset.done $0x0  }
.LBB2_6:
0x25: {  	s12 =	sshra.s32 s11, $0x2;
	[sflag:s7] =	ssyncadd.s32 $0xFFFFFFB0;
	p1 =	sne.s32 s11, $0xF800  }
0x26: {  	[spmem:s1] =	stream.indirect.scatter.add.s32 [tilespmem:s9], [sflag:$0x1], $0x1, s12, s8, $0xb8;
	[tilespmem:$0x6A78] =	vst v63  }
.Ltmp2:
0x27: {  	_ = 	snop;
	(pc) =	sbr.rel @p1 .LBB2_6-.Ltmp2, $4  }
0x28: {  	_ = 	snop  }
0x29: {  	s11 =	sadd.s32 $0x200, s11  }
0x2a: {  	_ =	swait.ge [sflag:s7], $0x50  }
0x2b: {  	[sflag:s7] =	ssyncset.done $0x0  }
0x2c: {  	[sflag:s7] =	ssyncadd.s32 $0xFFFFFFB0;
	s11 =	simm.s32 @!p0 $0x1;
	s2 =	sadd.s32 $0x1, s2  }
0x2d: {  	s12 =	simm.s32 @!p0 $0x20;
	s13 =	simm.s32 @!p0 $0x10;
	p1 =	sne.s32 s2, s5  }
.Ltmp3:
0x2e: {  	s14 =	simm.s32 @!p0 $0x1C01;
	[bflag:$0x0] =	sbarrier.arrive $0xFFFF;
	(pc) =	sbr.rel @p1 .LBB2_1-.Ltmp3, $4  }
0x2f: {  	[hbm:s4@s12], [sflag:s14] =	dma.strided @!p0 [spmem:s10@s13], $0x4F0, s11, $0x10   }
0x30: {  	_ =	swait.ge @!p0 [sflag:s11], $0x4F0  }
0x31: {  	[sflag:s11] =	ssyncset.done @!p0 $0x0  }
0x32: {  	[sflag:s11] =	ssyncadd.s32 @!p0 $0xFFFFFB10  }
0x33: {  	_ =	sfence.sel $0x180000  }
0x34: {  	[bflag:$0x0] =	sbarrier.arrive $0xFFFF  }
0x35: {  	_ =	strace $0x90000047  }
0x36: {  	s0 =	sadd.s32 @!p0 $0x100000, s0;
	[bflag:$0x2] =	sbarrier.arrive $0xFFFF  }
0x37: {  	[sflag:s0] =	ssyncadd.tile.s32 @!p0 $0x1;
	_ =	shalt  }
.Lfunc_end2:
_tile_overlayer_lowered:
.L_overlay_start_2:
0x38: {  	(tag) =	ssettag $0x2  }
0x39: {  	s0 =	rddreg [dreg:$0x0];
	s2 =	stileid.u32  }
0x3a: {  	s1 =	rddreg [dreg:$0x1];
	p0 =	sne.s32 s2, $0x0  }
0x3b: {  	s3 =	rddreg [dreg:$0x2];
	[bflag:$0x3] =	sbarrier.arrive $0xFFFF;
	s2 =	simm.s32 @!p0 $0x1C01  }
0x3c: {  	[timem:s3], [sflag:s2] =	dma.local @!p0 [hbm:s0], s1  }
0x3d: {  	s0 =	simm.s32 @!p0 $0x1  }
0x3e: {  	_ =	swait.ge @!p0 [sflag:s0], s1  }
0x3f: {  	s1 =	ssub.s32 @!p0 $0x0, s1;
	[sflag:s0] =	ssyncset.done @!p0 $0x0  }
0x40: {  	[sflag:s0] =	ssyncadd.s32 @!p0 s1  }
0x41: {  	[bflag:$0x3] =	sbarrier.arrive $0xFFFF  }
0x42: {  	_ =	shalt  }

// kernel: kernel.9.cloned.1.call-start
scs
__scs_entry_jumppad:
0x0: {  	(pc) =	sbr.rel $0x88, $3  }
0x1: {  	(tag) =	ssettag $0x0;
	lr =	simm.s32 $0x1  }
0x2: {  	[smem:$0x3F9C] =	sst lr;
	_ =	strace $0xD0000000  }
0x3: {  	_ = 	snop  }
0x4: {  	_ = 	snop  }
0x5: {  	_ = 	snop  }
0x6: {  	_ = 	snop  }
0x7: {  	_ = 	snop  }
__scs_overlays_trampoline_lowered:
0x8: {  	[smem:$0x3FAB] =	sst s0  }
0x9: {  	[smem:$0x3FAC] =	sst s1  }
0xa: {  	[smem:$0x3FAD] =	sst s2  }
0xb: {  	[smem:$0x3FAE] =	sst s3  }
0xc: {  	[smem:$0x3FAF] =	sst s4  }
0xd: {  	[smem:$0x3FB0] =	sst s5  }
0xe: {  	[smem:$0x3FB1] =	sst s6  }
0xf: {  	[smem:$0x3FB2] =	sst s7  }
0x10: {  	[smem:$0x3FB3] =	sst s8  }
0x11: {  	[smem:$0x3FB4] =	sst s9;
	s0 =	simm.s32 @!p0 $0x0  }
0x12: {  	s1 =	sld [smem:$0x3F9A];
	s0 =	simm.s32 @p0 $0x1  }
0x13: {  	[smem:$0x3FB5] =	sst s0;
	s0 =	simm.s32 @!p1 $0x0  }
0x14: {  	s2 =	sld [smem:$0x3F99];
	s0 =	simm.s32 @p1 $0x1  }
0x15: {  	[smem:$0x3FB6] =	sst s0;
	s0 =	simm.s32 @!p2 $0x0  }
0x16: {  	s3 =	sld [smem:$0x3FDB];
	s0 =	simm.s32 @p2 $0x1  }
0x17: {  	s4 =	simm.s32 $0x1BF5;
	[smem:$0x3FB8] =	sst s0  }
0x18: {  	s0 =	sld [smem:$0x3F9B];
	_ =	swait.ge [sflag:s4], $0x0  }
0x19: {  	s7 =	sld [smem:$0x3F9C]  }
0x1a: {  	s8 =	sadd.s32 $0xFFFFE003, lr  }
0x1b: {  	s9 =	sadd.s32 $0xFFFFFEF7, lr;
	s5 =	simm.s32 $0xFFFFFFFF;
	p2 =	slt.u32 s8, $0xFFFFF086  }
0x1c: {  	p1 =	slt.u32 s9, $0xF7A;
	s5 =	simm.s32 @!p2 $0x0  }
0x1d: {  	s5 =	simm.s32 @p1 $0x1;
	p0 =	seq.s32 s7, s2  }
0x1e: {  	s7 =	smul.u32 @!p0 $0xF7A, s2;
	p2 =	seq.s32 @!p0 s5, $0x0  }
0x1f: {  	s9 =	smul.u32 $0xF7A, s1;
	s8 =	simm.s32 @!p0 $0x1BF5;
	p2 =	por !p2, p0  }
0x20: {  	[sflag:s8] =	ssyncset.s32 @!p0 $0xFFFFF086;
	s6 =	sadd.s32 @!p0 s3, s7;
	s7 =	simm.s32 @!p0 $0x108  }
0x21: {  	s3 =	sadd.s32 s3, s9;
	s6 =	sadd.s32 @!p0 $0x88, s6;
	s7 =	simm.s32 @p2 $0x1082  }
0x22: {  	[simem:s7], [sflag:s8] =	dma.local @!p0 [hbm:s6], $0xF7A  }
0x23: {  	s9 =	sor.u32 $0xD0000000, s2;
	s6 =	simm.s32 $0x108;
	_ =	swait.ge @!p0 [sflag:s8], $0x0  }
0x24: {  	s3 =	sadd.s32 $0x88, s3;
	s6 =	simm.s32 @!p1 $0x1082;
	[sflag:s4] =	ssyncset.s32 $0xFFFFF086  }
0x25: {  	[simem:s6], [sflag:s4] =	dma.local [hbm:s3], $0xF7A  }
0x26: {  	[smem:$0x3F9C] =	sst s1;
	(tag) =	ssettag s2;
	_ =	strace s9  }
0x27: {  	s1 =	sld [smem:$0x3FAC]  }
0x28: {  	s2 =	sld [smem:$0x3FAD]  }
0x29: {  	s4 =	sld [smem:$0x3FAF]  }
0x2a: {  	p0 =	seq.s32 s5, $0x0;
	s5 =	sld [smem:$0x3FB0]  }
0x2b: {  	s6 =	sld [smem:$0x3FB1]  }
0x2c: {  	s7 =	sld [smem:$0x3FB2]  }
0x2d: {  	s3 =	simm.s32 $0x108;
	s8 =	sld [smem:$0x3FB3]  }
0x2e: {  	s3 =	simm.s32 @!p0 $0x1082;
	s9 =	sld [smem:$0x3FB4]  }
0x2f: {  	lr =	sadd.s32 s0, s3;
	s0 =	sld [smem:$0x3FAB]  }
0x30: {  	s3 =	sld [smem:$0x3FAE]  }
0x31: {  	[smem:$0x3FB7] =	sst s10  }
0x32: {  	s10 =	sld [smem:$0x3FB5];
	_ =	sdelay $0x3  }
0x33: {  	p0 =	seq.s32 s10, $0x1;
	s10 =	sld [smem:$0x3FB7];
	_ =	sdelay $0x3  }
0x34: {  	[smem:$0x3FB7] =	sst s10  }
0x35: {  	s10 =	sld [smem:$0x3FB6];
	_ =	sdelay $0x3  }
0x36: {  	p1 =	seq.s32 s10, $0x1;
	s10 =	sld [smem:$0x3FB7];
	_ =	sdelay $0x3  }
0x37: {  	[smem:$0x3FB7] =	sst s10  }
0x38: {  	s10 =	sld [smem:$0x3FB8]  }
0x39: {  	_ = 	snop;
	(pc) =	sbr.ind lr, $3  }
0x3a: {  	_ = 	snop  }
0x3b: {  	_ = 	snop  }
0x3c: {  	p2 =	seq.s32 s10, $0x1;
	s10 =	sld [smem:$0x3FB7]  }
0x3d: {  	_ =	shalt  }
0x3e: {  	_ =	shalt  }
0x3f: {  	_ =	shalt  }
0x40: {  	_ =	shalt  }
0x41: {  	_ =	shalt  }
0x42: {  	_ =	shalt  }
0x43: {  	_ =	shalt  }
0x44: {  	_ =	shalt  }
0x45: {  	_ =	shalt  }
0x46: {  	_ =	shalt  }
0x47: {  	_ =	shalt  }
0x48: {  	_ =	shalt  }
0x49: {  	_ =	shalt  }
0x4a: {  	_ =	shalt  }
0x4b: {  	_ =	shalt  }
0x4c: {  	_ =	shalt  }
0x4d: {  	_ =	shalt  }
0x4e: {  	_ =	shalt  }
0x4f: {  	_ =	shalt  }
0x50: {  	_ =	shalt  }
0x51: {  	_ =	shalt  }
0x52: {  	_ =	shalt  }
0x53: {  	_ =	shalt  }
0x54: {  	_ =	shalt  }
0x55: {  	_ =	shalt  }
0x56: {  	_ =	shalt  }
0x57: {  	_ =	shalt  }
0x58: {  	_ =	shalt  }
0x59: {  	_ =	shalt  }
0x5a: {  	_ =	shalt  }
0x5b: {  	_ =	shalt  }
0x5c: {  	_ =	shalt  }
0x5d: {  	_ =	shalt  }
0x5e: {  	_ =	shalt  }
0x5f: {  	_ =	shalt  }
0x60: {  	_ =	shalt  }
0x61: {  	_ =	shalt  }
0x62: {  	_ =	shalt  }
0x63: {  	_ =	shalt  }
0x64: {  	_ =	shalt  }
0x65: {  	_ =	shalt  }
0x66: {  	_ =	shalt  }
0x67: {  	_ =	shalt  }
0x68: {  	_ =	shalt  }
0x69: {  	_ =	shalt  }
0x6a: {  	_ =	shalt  }
0x6b: {  	_ =	shalt  }
0x6c: {  	_ =	shalt  }
0x6d: {  	_ =	shalt  }
0x6e: {  	_ =	shalt  }
0x6f: {  	_ =	shalt  }
0x70: {  	_ =	shalt  }
0x71: {  	_ =	shalt  }
0x72: {  	_ =	shalt  }
0x73: {  	_ =	shalt  }
0x74: {  	_ =	shalt  }
0x75: {  	_ =	shalt  }
0x76: {  	_ =	shalt  }
0x77: {  	_ =	shalt  }
0x78: {  	_ =	shalt  }
0x79: {  	_ =	shalt  }
0x7a: {  	_ =	shalt  }
0x7b: {  	_ =	shalt  }
0x7c: {  	_ =	shalt  }
0x7d: {  	_ =	shalt  }
0x7e: {  	_ =	shalt  }
0x7f: {  	_ =	shalt  }
0x80: {  	_ =	shalt  }
0x81: {  	_ =	shalt  }
0x82: {  	_ =	shalt  }
0x83: {  	_ =	shalt  }
0x84: {  	_ =	shalt  }
0x85: {  	_ =	shalt  }
0x86: {  	_ =	shalt  }
0x87: {  	_ =	shalt  }
.Lfunc_end0:
.L_simem_size_0:
called_computation.1_lowered:
.L_overlay_start_0:
0x88: {  	s2 =	sld [smem:$0x3FD9]  }
0x89: {  	s3 =	sld [smem:$0x3FFE];
	_ =	sdelay $0x1  }
0x8a: {  	s1 =	srdreg.scid  }
0x8b: {  	s0 =	sand.u32 $0x1, s1  }
0x8c: {  	s17 =	sshll.u32 s0, $0xA;
	s2 =	sadd.s32 s3, s2  }
0x8d: {  	s2 =	sadd.s32 s2, s17  }
0x8e: {  	[smem:$0x3FC3] =	sst s2  }
0x8f: {  	_ = 	snop  }
0x90: {  	s2 =	sld [smem:$0x3FD0];
	(tm) =	ssettm $0x1  }
0x91: {  	s18 =	sld [smem:$0x3FFB];
	_ =	sdelay $0x3  }
0x92: {  	_ =	strace s18  }
0x93: {  	s3 =	sld [smem:$0x3FFC];
	_ =	sdelay $0x3  }
0x94: {  	_ =	strace s3  }
0x95: {  	s3 =	sld [smem:$0x3FFD];
	_ =	sdelay $0x3  }
0x96: {  	_ =	strace s3  }
0x97: {  	_ =	strace $0x8FFFFFFF  }
0x98: {  	s19 =	sld [smem:$0x3FDB];
	_ =	sdelay $0x1  }
0x99: {  	s4 =	simm.s32 $_scs_section_size  }
0x9a: {  	s5 =	simm.s32 $_size__tile_overlayer_lowered;
	s6 =	simm.s32 $_tile_overlayer_lowered  }
0x9b: {  	s22 =	simm.s32 $0x1BFF;
	s21 =	sshll.u32 s6, $0x1;
	s3 =	sadd.s32 s4, s19  }
0x9c: {  	s7 =	simm.s32 $0x0;
	s20 =	sshll.u32 s5, $0x1;
	s5 =	sadd.s32 s21, s3  }
0x9d: {  	[timem:s7], [sflag:s22] =	dma.local [hbm:s5], s20  }
0x9e: {  	_ =	swait.ge [sflag:s22], s20  }
0x9f: {  	s4 =	ssub.s32 $0x0, s20;
	[sflag:s22] =	ssyncset.done $0x0  }
0xa0: {  	[sflag:s22] =	ssyncadd.s32 s4;
	_ =	sdelay $0x1  }
0xa1: {  	s23 =	simm.s32 $0x1B8B  }
0xa2: {  	_ =	swait.ge [sflag:s23], $0x1  }
0xa3: {  	[sflag:s23] =	ssyncset.done $0x0  }
0xa4: {  	s25 =	simm.s32 $0x1B8E;
	s24 =	sld [smem:$0x3FFE];
	[sflag:s23] =	ssyncadd.s32 $0xFFFFFFFF  }
0xa5: {  	s26 =	simm.s32 $execute0_lowered;
	[smem:$0x3FD2] =	sst s25  }
0xa6: {  	s5 =	sshll.u32 s26, $0x1;
	_ =	strace $0x80000049;
	[dreg:$0x1] =	wrdreg $0xFFFFFFFF  }
0xa7: {  	s28 =	simm.s32 $_size_execute0_lowered;
	s3 =	sadd.s32 s3, s5;
	[dreg:$0x0] =	wrdreg $0x0  }
0xa8: {  	s5 =	sshll.u32 s28, $0x1;
	[dreg:$0x2] =	wrdreg s3  }
0xa9: {  	[dreg:$0x3] =	wrdreg s5  }
0xaa: {  	[dreg:$0x4] =	wrdreg $0xC0  }
0xab: {  	_ =	task [dreg:s7], $0x5FFFF  }
0xac: {  	[dreg:$0x1] =	wrdreg $0xFFFFFFFF  }
0xad: {  	[dreg:$0x0] =	wrdreg $0x60  }
0xae: {  	[dreg:$0x2] =	wrdreg s2  }
0xaf: {  	[dreg:$0x3] =	wrdreg s24  }
0xb0: {  	[dreg:$0x4] =	wrdreg $0xA8000  }
0xb1: {  	[dreg:$0x5] =	wrdreg $0x9  }
0xb2: {  	_ =	task.clear_ibuf [dreg:s7], $0x6FFFF;
	_ =	strace $0x90000049  }
0xb3: {  	s29 =	simm.s32 $0x9;
	_ =	strace $0x8000004B  }
0xb4: {  	_ =	swait.ge [sflag:s29], $0x1  }
0xb5: {  	[sflag:s29] =	ssyncadd.s32 $0xFFFFFFFF  }
0xb6: {  	_ =	strace $0x9000004B  }
0xb7: {  	_ =	sfence  }
0xb8: {  	s30 =	sld [smem:$0x0];
	_ =	sdelay $0x2  }
0xb9: {  	s31 =	sshll.u32 s1, $0xD;
	s1 =	sshrl.u32 s1, $0x2  }
0xba: {  	s3 =	sand.u32 $0x4000, s31;
	s1 =	sadd.s32 s1, s30  }
0xbb: {  	s0 =	sor.u32 s3, s0;
	s1 =	sshll.u32 s1, $0x11  }
0xbc: {  	s0 =	sor.u32 s1, s0  }
0xbd: {  	s0 =	sadd.s32 $0x8F2B, s0  }
0xbe: {  	[sflag:s0] =	ssyncadd.remote.s32 $0x1  }
0xbf: {  	_ =	sfence.sel $0xFFFF  }
0xc0: {  	[dreg:$0x0] =	wrdreg $0xFFFFFFFF;
	(pc) =	sbr.abs _section_cstart, $3  }
0xc1: {  	[dreg:$0x1] =	wrdreg $0xFFFFFFFF  }
0xc2: {  	_ =	task.clear_ibuf [dreg:s7], $0x2FFFF;
	_ =	strace $0x9FFFFFFF  }
0xc3: {  	(tm) =	ssettm $0x7FFFFFFF  }
tec
execute0_lowered:
.L_overlay_start_1:
0x0: {  	(tag) =	ssettag $0x1  }
0x1: {  	s0 =	rddreg [dreg:$0x0]  }
0x2: {  	s5 =	rddreg [dreg:$0x1]  }
0x3: {  	s1 =	srdreg.scid;
	s3 =	rddreg [dreg:$0x2]  }
0x4: {  	s2 =	stileid.u32;
	s4 =	simm.s32 $0x0;
	s11 =	simm.s32 $0x2  }
0x5: {  	s12 =	simm.s32 $0x4000;
	s13 =	simm.s32 $0x50;
	s14 =	simm.s32 $0x1  }
0x6: {  	s6 =	sand.u32 $0x1, s1;
	s1 =	rddreg [dreg:$0x3];
	s8 =	smul.u32 $0x13C00, s2  }
0x7: {  	[smem:$0x7FF] =	sst s4;
	s10 =	sshll.u32 s2, $0xB;
	s29 =	smul.u32 $0x4E200, s2  }
0x8: {  	s15 =	sshll.u32 s2, $0x6;
	s7 =	smul.u32 $0x13C000, s6;
	s9 =	sshll.u32 s6, $0xF  }
0x9: {  	_ =	strace $0x8000004A;
	s6 =	ssub.s32 $0x2, s6;
	s15 =	sor.u32 $0x1C02, s15  }
0xa: {  	s9 =	sor.u32 s10, s9;
	s30 =	sshrl.u32 s6, $0x1;
	s10 =	simm.s32 $0x8000  }
0xb: {  	s7 =	sadd.s32 s8, s7;
	s9 =	sadd.s32 s9, s5;
	s31 =	ssub.s32 s6, s30  }
0xc: {  	s8 =	sshrl.u32 s29, $0x2;
	s7 =	sshrl.u32 s7, $0x3;
	s6 =	sadd.s32 $0x1200, s9  }
0xd: {  	s8 =	sadd.s32 s8, s3;
	s7 =	sadd.s32 s7, s5;
	s5 =	sadd.s32 $0x11200, s9  }
0xe: {  	v0 =	vimm.f32 $0.0e+00;
	s9 =	smax.u32 s31, $0x1;
	s16 =	sshrl.u32 s8, $0x3;
	s7 =	sadd.s32 $0x21200, s7  }
.LBB2_1:
0xf: {  	s17 =	simm.s32 $0x0;
	s18 =	simm.s32 $0x0  }
.LBB2_2:
0x10: {  	p0 =	sne.s32 s18, $0x31C0  }
.Ltmp0:
0x11: {  	_ = 	snop;
	(pc) =	sbr.rel @p0 .LBB2_2-.Ltmp0, $4  }
0x12: {  	s19 =	sand.u32 $0x3E00, s18  }
0x13: {  	s20 =	sand.u32 $0x70, s17;
	s19 =	sshrl.u32 s19, $0x2  }
0x14: {  	s19 =	sor.u32 s20, s19  }
0x15: {  	s17 =	sadd.s32 $0x10, s17;
	s18 =	sadd.s32 $0x40, s18;
	[tilespmem:s19+$0x8000] =	vst v0  }
0x16: {  	s17 =	sadd.s32 $0x0, s8  }
0x17: {  	[spmem:s17] =	stream.linear.scatter [tilespmem:s10], [sflag:$0x2], $0xC80, $0x38;
	[tilespmem:$0x1E080] =	vst v63  }
0x18: {  	s17 =	simm.s32 $0x3200;
	_ =	swait.ge [sflag:s11], $0xC80  }
.LBB2_4:
0x19: {  	s18 =	sshra.s32 s17, $0x2;
	[sflag:s11] =	ssyncset.done $0x0;
	p0 =	sne.s32 s17, $0x4B000  }
.Ltmp1:
0x1a: {  	s18 =	sadd.s32 s18, s8;
	[sflag:s11] =	ssyncadd.s32 $0xFFFFF380;
	(pc) =	sbr.rel @p0 .LBB2_4-.Ltmp1, $3  }
0x1b: {  	[spmem:s18] =	stream.linear.scatter [tilespmem:s10], [sflag:$0x2], $0xC80, $0x38;
	[tilespmem:$0x1E080] =	vst v63  }
0x1c: {  	s17 =	sadd.s32 $0x3200, s17;
	_ =	sdelay $0x1  }
0x1d: {  	_ =	swait.ge [sflag:s11], $0xC80  }
0x1e: {  	[sflag:s11] =	ssyncset.done $0x0  }
0x1f: {  	s17 =	simm.s32 $0x0;
	[sflag:s11] =	ssyncadd.s32 $0xFFFFF380  }
0x20: {  	[tilespmem:s17], [sflag:$0x2] =	stream.linear.gather [hbm4b:s5+s17], $0x3E80, $0x38;
	[tilespmem:$0x1E080] =	vst v63  }
0x21: {  	_ =	swait.ge [sflag:s11], $0x3E80  }
0x22: {  	[sflag:s11] =	ssyncset.done $0x0  }
0x23: {  	[sflag:s11] =	ssyncadd.s32 $0xFFFFC180  }
0x24: {  	[tilespmem:s12], [sflag:$0x2] =	stream.linear.gather [hbm4b:s6+s17], $0x3E80, $0x38;
	[tilespmem:$0x1E080] =	vst v63  }
0x25: {  	_ =	swait.ge [sflag:s11], $0x3E80  }
0x26: {  	[sflag:s11] =	ssyncset.done $0x0  }
0x27: {  	[sflag:s11] =	ssyncadd.s32 $0xFFFFC180  }
0x28: {  	s30 =	simm.s32 $0x0;
	[bflag:$0x0] =	sbarrier.arrive $0xFFFF  }
0x29: {  	[tilespmem:s10], [sflag:$0x1] =	stream.indirect.gather [hbm4b:s0+s13], $0x80, s30, s13, $0xb8;
	[tilespmem:$0x1E080] =	vst v63  }
0x2a: {  	_ =	swait.ge [sflag:s14], $0x2800  }
0x2b: {  	[sflag:s14] =	ssyncset.done $0x0  }
0x2c: {  	s31 =	simm.s32 $0x4000;
	[sflag:s14] =	ssyncadd.s32 $0xFFFFD800  }
0x2d: {  	[spmem:s3] =	stream.indirect.scatter.add.f32 [tilespmem:s10], [sflag:$0x2], $0x80, s31, s13, $0xb8;
	[tilespmem:$0x1E080] =	vst v63  }
0x2e: {  	_ =	swait.ge [sflag:s11], $0x2800  }
0x2f: {  	s18 =	simm.s32 $0x400;
	s17 =	simm.s32 $0x200;
	[sflag:s11] =	ssyncset.done $0x0  }
.LBB2_6:
0x30: {  	s19 =	sshra.s32 s17, $0x2  }
0x31: {  	[sflag:s11] =	ssyncadd.s32 $0xFFFFD800;
	s17 =	smov.u32 s18;
	s20 =	sadd.s32 $0x200, s18  }
0x32: {  	[tilespmem:s10], [sflag:$0x1] =	stream.indirect.gather [hbm4b:s0+s13], $0x80, s19, s13, $0xb8;
	[tilespmem:$0x1E080] =	vst v63  }
0x33: {  	p0 =	sne.s32 s18, $0xF800;
	_ =	swait.ge [sflag:s14], $0x2800  }
.Ltmp2:
0x34: {  	[sflag:s14] =	ssyncset.done $0x0;
	(pc) =	sbr.rel @p0 .LBB2_6-.Ltmp2, $4  }
0x35: {  	s18 =	sadd.s32 $0x4000, s19;
	[sflag:s14] =	ssyncadd.s32 $0xFFFFD800  }
0x36: {  	[spmem:s3] =	stream.indirect.scatter.add.f32 [tilespmem:s10], [sflag:$0x2], $0x80, s18, s13, $0xb8;
	[tilespmem:$0x1E080] =	vst v63  }
0x37: {  	_ =	swait.ge [sflag:s11], $0x2800  }
0x38: {  	s18 =	smov.u32 s20;
	[sflag:s11] =	ssyncset.done $0x0  }
0x39: {  	s17 =	sshra.s32 s17, $0x2;
	[sflag:s11] =	ssyncadd.s32 $0xFFFFD800  }
0x3a: {  	[tilespmem:s10], [sflag:$0x1] =	stream.indirect.gather [hbm4b:s0+s13], $0x80, s17, s13, $0xb8;
	[tilespmem:$0x1E080] =	vst v63  }
0x3b: {  	_ =	swait.ge [sflag:s14], $0x2800  }
0x3c: {  	[sflag:s14] =	ssyncset.done $0x0  }
0x3d: {  	s17 =	sadd.s32 $0x4000, s17;
	[sflag:s14] =	ssyncadd.s32 $0xFFFFD800  }
0x3e: {  	[spmem:s3] =	stream.indirect.scatter.add.f32 [tilespmem:s10], [sflag:$0x2], $0x80, s17, s13, $0xb8;
	[tilespmem:$0x1E080] =	vst v63  }
0x3f: {  	_ =	swait.ge [sflag:s11], $0x2800  }
0x40: {  	s4 =	sadd.s32 $0x1, s4;
	[sflag:s11] =	ssyncset.done $0x0  }
0x41: {  	p0 =	sne.s32 s4, s9;
	[sflag:s11] =	ssyncadd.s32 $0xFFFFD800  }
.Ltmp3:
0x42: {  	[bflag:$0x0] =	sbarrier.arrive $0xFFFF;
	(pc) =	sbr.rel @p0 .LBB2_1-.Ltmp3, $4  }
0x43: {  	[hbm:s7], [sflag:s15] =	dma.local [spmem:s16], $0x2710  }
0x44: {  	_ =	swait.ge [sflag:s11], $0x2710  }
0x45: {  	[sflag:s11] =	ssyncset.done $0x0  }
0x46: {  	[sflag:s11] =	ssyncadd.s32 $0xFFFFD8F0  }
0x47: {  	_ =	sfence.sel $0x180000  }
0x48: {  	[bflag:$0x0] =	sbarrier.arrive $0xFFFF  }
0x49: {  	p0 =	sne.s32 s2, $0x0;
	_ =	strace $0x9000004A  }
0x4a: {  	s0 =	sadd.s32 @!p0 $0x100000, s1;
	[bflag:$0x2] =	sbarrier.arrive $0xFFFF  }
0x4b: {  	[sflag:s0] =	ssyncadd.tile.s32 @!p0 $0x1;
	_ =	shalt  }
.Lfunc_end2:
_tile_overlayer_lowered:
.L_overlay_start_2:
0x4c: {  	(tag) =	ssettag $0x2  }
0x4d: {  	s0 =	rddreg [dreg:$0x0];
	s2 =	stileid.u32  }
0x4e: {  	s1 =	rddreg [dreg:$0x1];
	p0 =	sne.s32 s2, $0x0  }
0x4f: {  	s3 =	rddreg [dreg:$0x2];
	[bflag:$0x3] =	sbarrier.arrive $0xFFFF;
	s2 =	simm.s32 @!p0 $0x1C02  }
0x50: {  	[timem:s3], [sflag:s2] =	dma.local @!p0 [hbm:s0], s1  }
0x51: {  	s0 =	simm.s32 @!p0 $0x2  }
0x52: {  	_ =	swait.ge @!p0 [sflag:s0], s1  }
0x53: {  	s1 =	ssub.s32 @!p0 $0x0, s1;
	[sflag:s0] =	ssyncset.done @!p0 $0x0  }
0x54: {  	[sflag:s0] =	ssyncadd.s32 @!p0 s1  }
0x55: {  	[bflag:$0x3] =	sbarrier.arrive $0xFFFF  }
0x56: {  	_ =	shalt  }

</sc_bundles>
